<compile_context>
chip_gen: v7x
topology: tpu7x:2x2x1
jax: 0.10.2.dev20260603
libtpu: 0.0.44.dev20260713+nightly
codegen_flags: <defaults>
</compile_context>

<pallas_src>
import functools

import jax
import jax.numpy as jnp
from jax import lax
from jax.experimental import pallas as pl
from jax.experimental.pallas import tpu as pltpu
from jax.experimental.pallas import tpu_sc as plsc

N = 10000
D = 128
H1 = 64
H2 = 32
HW = 32

NC = 2
NS = 16
CH = 128
NCH = 160
E_PAD = NS * NCH * CH
N_PAD = 10112
RPT = N_PAD // NS
TAIL = N - (NS - 1) * RPT
NBUF = 8
LAG = NBUF // 2



def _sc_body(table, src_idx, dst_idx, zeros, out,
             idx_s, idx_d, rows, acc, tbl, gsem, ssem):
    c = lax.axis_index("c")
    s = lax.axis_index("s")
    r0 = s * RPT

    pltpu.sync_copy(zeros.at[pl.ds(r0, RPT)], acc.at[pl.ds(r0, RPT)])
    @pl.when(s < NS - 1)
    def _stage_main():
        pltpu.sync_copy(table.at[c, pl.ds(r0, RPT)],
                        tbl.at[pl.ds(r0, RPT)])

    @pl.when(s == NS - 1)
    def _stage_tail():
        pltpu.sync_copy(table.at[c, pl.ds((NS - 1) * RPT, TAIL)],
                        tbl.at[pl.ds((NS - 1) * RPT, TAIL)])

    pltpu.sync_copy(src_idx.at[pl.ds(s * NCH, NCH)], idx_s)
    pltpu.sync_copy(dst_idx.at[pl.ds(s * NCH, NCH)], idx_d)
    plsc.subcore_barrier()

    for t in range(LAG):
        pltpu.async_copy(tbl.at[idx_s.at[t]], rows.at[t], gsem)

    def chunk(j, carry):
        b = lax.rem(j, NBUF)
        bnext = lax.rem(j + LAG, NBUF)

        @pl.when(j >= LAG)
        def _drain_lagged_scatter():
            pltpu.make_async_copy(
                rows.at[bnext], acc.at[idx_d.at[j - LAG]], ssem).wait()

        @pl.when(j + LAG < NCH)
        def _fire_ahead_gather():
            pltpu.async_copy(tbl.at[idx_s.at[j + LAG]], rows.at[bnext], gsem)

        pltpu.make_async_copy(tbl.at[idx_s.at[j]], rows.at[b], gsem).wait()
        pltpu.async_copy(rows.at[b], acc.at[idx_d.at[j]], ssem, add=True)
        return carry

    lax.fori_loop(0, NCH, chunk, 0)
    for t in range(max(NCH - LAG, 0), NCH):
        pltpu.make_async_copy(
            rows.at[t % NBUF], acc.at[idx_d.at[t]], ssem).wait()
    plsc.subcore_barrier()
    pltpu.sync_copy(acc.at[pl.ds(r0, RPT)], out.at[c, pl.ds(r0, RPT)])


_sc_scatter = functools.partial(
    pl.kernel,
    out_type=jax.ShapeDtypeStruct((NC, N_PAD, HW), jnp.float32),
    mesh=plsc.VectorSubcoreMesh(core_axis_name="c", subcore_axis_name="s"),
    scratch_types=[
        pltpu.VMEM((NCH, CH), jnp.int32),
        pltpu.VMEM((NCH, CH), jnp.int32),
        pltpu.VMEM((NBUF, CH, HW), jnp.float32),
        pltpu.VMEM_SHARED((N_PAD, HW), jnp.float32),
        pltpu.VMEM_SHARED((N, HW), jnp.float32),
        pltpu.SemaphoreType.DMA,
        pltpu.SemaphoreType.DMA,
    ],
    compiler_params=pltpu.CompilerParams(use_tc_tiling_on_sc=False),
)(_sc_body)



BM = 10000


def _mm_body(x_ref, w_ref, o_ref):
    s = jnp.dot(x_ref[...], w_ref[...], preferred_element_type=jnp.float32)
    o_ref[0] = s[:, :HW]
    o_ref[1] = s[:, HW:]


def _first_matmul(x, w1):
    return pl.pallas_call(
        _mm_body,
        grid=(N // BM,),
        in_specs=[
            pl.BlockSpec((BM, D), lambda i: (i, 0)),
            pl.BlockSpec((D, H1), lambda i: (0, 0)),
        ],
        out_specs=pl.BlockSpec((NC, BM, HW), lambda i: (0, i, 0)),
        out_shape=jax.ShapeDtypeStruct((NC, N_PAD, HW), jnp.float32),
    )(x, w1)


def _mid_body(h_ref, w_ref, o_ref):
    h = jnp.concatenate([h_ref[0], h_ref[1]], axis=1)
    s = jnp.dot(h, w_ref[...], preferred_element_type=jnp.float32)
    o_ref[0] = s[:, :HW]
    o_ref[1] = s[:, HW:]


def _mid_matmul(h1, w23):
    return pl.pallas_call(
        _mid_body,
        grid=(N // BM,),
        in_specs=[
            pl.BlockSpec((NC, BM, HW), lambda i: (0, i, 0)),
            pl.BlockSpec((H1, H1), lambda i: (0, 0)),
        ],
        out_specs=pl.BlockSpec((NC, BM, HW), lambda i: (0, i, 0)),
        out_shape=jax.ShapeDtypeStruct((NC, N_PAD, HW), jnp.float32),
    )(h1, w23)


def _final_body(g_ref, eps_ref, z_ref, mu_ref, lv_ref):
    mu = g_ref[0]
    lv = g_ref[1]
    mu_ref[...] = mu
    lv_ref[...] = lv
    z_ref[...] = eps_ref[...] * jnp.exp(lv) + mu


def _final_stage(g, eps):
    shp = jax.ShapeDtypeStruct((N, H2), jnp.float32)
    return pl.pallas_call(
        _final_body,
        grid=(N // BM,),
        in_specs=[
            pl.BlockSpec((NC, BM, HW), lambda i: (0, i, 0)),
            pl.BlockSpec((BM, H2), lambda i: (i, 0)),
        ],
        out_specs=[
            pl.BlockSpec((BM, H2), lambda i: (i, 0)),
            pl.BlockSpec((BM, H2), lambda i: (i, 0)),
            pl.BlockSpec((BM, H2), lambda i: (i, 0)),
        ],
        out_shape=[shp, shp, shp],
    )(g, eps)



def kernel(x, edge_index, W1, W2, W3, eps):
    pad = E_PAD - edge_index.shape[1]
    src = jnp.concatenate(
        [edge_index[0], jnp.zeros((pad,), jnp.int32)]).reshape(NS * NCH, CH)
    dst = jnp.concatenate(
        [edge_index[1], jnp.full((pad,), N, jnp.int32)]).reshape(NS * NCH, CH)
    zeros = jnp.zeros((N_PAD, HW), jnp.float32)
    w23 = jnp.concatenate([W2, W3], axis=1)

    s1 = _first_matmul(x, W1)
    h1 = _sc_scatter(s1, src, dst, zeros)
    s2 = _mid_matmul(h1, w23)
    g = _sc_scatter(s2, src, dst, zeros)
    z, mu, logvar = _final_stage(g, eps)
    return (z, mu, logvar)

# --- scband reference (transcript-rebuilt; emitter-appended) ---
"""Pipeline reference for scband-gcnmodel-vae-21758304322333 (READ-ONLY COPY).

The authoritative reference and input builder live on the scoring server;
editing this copy changes nothing except your own understanding.
"""

import jax, jax.numpy as jnp
import numpy as np

N = 10000
E = 320000
D = 128
H1 = 64
H2 = 32


def setup_inputs(seed: int = 0) -> dict:
    key = jax.random.key(seed)
    k1, k2, k3, k4, k5, k6 = jax.random.split(key, 6)
    x = jax.random.normal(k1, (N, D), dtype=jnp.float32)
    edge_index = jax.random.randint(k2, (2, E), 0, N, dtype=jnp.int32)
    W1 = jax.random.normal(k3, (D, H1), dtype=jnp.float32) * 0.05
    W2 = jax.random.normal(k4, (H1, H2), dtype=jnp.float32) * 0.05
    W3 = jax.random.normal(k5, (H1, H2), dtype=jnp.float32) * 0.05
    eps = jax.random.normal(k6, (N, H2), dtype=jnp.float32)
    return {"x": x, "edge_index": edge_index, "W1": W1, "W2": W2, "W3": W3, "eps": eps}


def _gcn_layer(h, edge_index, W):
    # GraphConvolution with act = identity, dropout disabled (eval-deterministic):
    # support = h @ W ; out = adj @ support, where adj[dst, src] = 1 for each edge.
    support = h @ W
    src = edge_index[0]
    dst = edge_index[1]
    gathered = jnp.take(support, src, axis=0)
    return jax.ops.segment_sum(gathered, dst, num_segments=N)


def reference(x, edge_index, W1, W2, W3, eps):
    # encode
    hidden1 = _gcn_layer(x, edge_index, W1)
    mu = _gcn_layer(hidden1, edge_index, W2)
    logvar = _gcn_layer(hidden1, edge_index, W3)
    # reparameterize (training mode): z = eps * exp(logvar) + mu
    std = jnp.exp(logvar)
    z = eps * std + mu
    return (z, mu, logvar)

if __name__ == "__main__":
    import jax
    _d = setup_inputs()
    print(jax.jit(kernel)(*tuple(_d.values())))

</pallas_src>

<mosaic_0001>
#map = affine_map<(d0, d1) -> (0, 0, 0)>
#map1 = affine_map<(d0, d1) -> (0, 0)>
module attributes {stable_mosaic.version = 14 : i64} {
  func.func @_sc_body(%arg0: i32, %arg1: i32, %arg2: memref<2x10112x32xf32, #tpu.memory_space<hbm>>, %arg3: memref<2560x128xi32, #tpu.memory_space<hbm>>, %arg4: memref<2560x128xi32, #tpu.memory_space<hbm>>, %arg5: memref<10112x32xf32, #tpu.memory_space<hbm>>, %arg6: memref<2x10112x32xf32, #tpu.memory_space<hbm>>, %arg7: memref<160x128xi32, #tpu.memory_space<vmem>>, %arg8: memref<160x128xi32, #tpu.memory_space<vmem>>, %arg9: memref<8x128x32xf32, #tpu.memory_space<vmem>>, %arg10: memref<10112x32xf32, #tpu.memory_space<vmem_shared>>, %arg11: memref<10000x32xf32, #tpu.memory_space<vmem_shared>>, %arg12: memref<!tpu.dma_semaphore, #tpu.memory_space<semaphore_mem>>, %arg13: memref<!tpu.dma_semaphore, #tpu.memory_space<semaphore_mem>>) attributes {dimension_semantics = [#tpu.dimension_semantics<core_parallel>, #tpu.dimension_semantics<subcore_parallel>], iteration_bounds = array<i64: 2, 16>, scalar_prefetch = 0 : i64, scratch_operands = 7 : i64, tpu.core_type = #tpu.core_type<sc_vector_subcore>, window_params = [{transform_indices = #map}, {transform_indices = #map1}, {transform_indices = #map1}, {transform_indices = #map1}, {transform_indices = #map}]} {
    %mul3A = arith.constant 632 : i32
    %mul3A_0 = arith.muli %arg1, %mul3A : i32
    "tpu.region"() ({
      %run_scoped3A = tpu.sem_alloc : memref<!tpu.dma_semaphore, #tpu.memory_space<semaphore_mem>>
      %dma_start3A_111 = arith.constant 0 : i32
      %dma_start3A_112 = tpu.memref_slice %arg10[%mul3A_0, %dma_start3A_111] : memref<10112x32xf32, #tpu.memory_space<vmem_shared>> -> memref<632x32xf32, #tpu.memory_space<vmem_shared>>
      %dma_start3A_113 = arith.constant 0 : i32
      %dma_start3A_114 = tpu.memref_slice %arg5[%mul3A_0, %dma_start3A_113] : memref<10112x32xf32, #tpu.memory_space<hbm>> -> memref<632x32xf32, #tpu.memory_space<hbm>>
      tpu.enqueue_dma source(%dma_start3A_114 : memref<632x32xf32, #tpu.memory_space<hbm>>) target(%dma_start3A_112 : memref<632x32xf32, #tpu.memory_space<vmem_shared>>) target_semaphore(%run_scoped3A : memref<!tpu.dma_semaphore, #tpu.memory_space<semaphore_mem>>)
      %dma_wait3A_115 = arith.constant 0 : i32
      %dma_wait3A_116 = tpu.memref_slice %arg10[%mul3A_0, %dma_wait3A_115] : memref<10112x32xf32, #tpu.memory_space<vmem_shared>> -> memref<632x32xf32, #tpu.memory_space<vmem_shared>>
      %dma_wait3A_117 = arith.constant 0 : i32
      %dma_wait3A_118 = tpu.memref_slice %arg5[%mul3A_0, %dma_wait3A_117] : memref<10112x32xf32, #tpu.memory_space<hbm>> -> memref<632x32xf32, #tpu.memory_space<hbm>>
      tpu.wait_dma2 semaphore(%run_scoped3A : memref<!tpu.dma_semaphore, #tpu.memory_space<semaphore_mem>>) src(%dma_wait3A_118 : memref<632x32xf32, #tpu.memory_space<hbm>>) dst(%dma_wait3A_116 : memref<632x32xf32, #tpu.memory_space<vmem_shared>>)
      tpu.yield
    }) : () -> ()
    %lt3A = arith.constant 15 : i32
    %lt3A_1 = arith.cmpi slt, %arg1, %lt3A : i32
    %convert_element_type3A = arith.extui %lt3A_1 : i1 to i32
    %cond3A = arith.constant 0 : i32
    %cond3A_2 = arith.cmpi ne, %convert_element_type3A, %cond3A : i32
    scf.if %cond3A_2 {
      "tpu.region"() ({
        %run_scoped3A = tpu.sem_alloc : memref<!tpu.dma_semaphore, #tpu.memory_space<semaphore_mem>>
        %dma_start3A_111 = arith.constant 0 : i32
        %dma_start3A_112 = tpu.memref_slice %arg11[%mul3A_0, %dma_start3A_111] : memref<10000x32xf32, #tpu.memory_space<vmem_shared>> -> memref<632x32xf32, #tpu.memory_space<vmem_shared>>
        %dma_start3A_113 = arith.constant 0 : i32
        %dma_start3A_114 = tpu.memref_slice %arg2[%arg0, %mul3A_0, %dma_start3A_113] : memref<2x10112x32xf32, #tpu.memory_space<hbm>> -> memref<1x632x32xf32, #tpu.memory_space<hbm>>
        %dma_start3A_115 = tpu.memref_squeeze %dma_start3A_114 : memref<1x632x32xf32, #tpu.memory_space<hbm>> -> memref<632x32xf32, #tpu.memory_space<hbm>>
        tpu.enqueue_dma source(%dma_start3A_115 : memref<632x32xf32, #tpu.memory_space<hbm>>) target(%dma_start3A_112 : memref<632x32xf32, #tpu.memory_space<vmem_shared>>) target_semaphore(%run_scoped3A : memref<!tpu.dma_semaphore, #tpu.memory_space<semaphore_mem>>)
        %dma_wait3A_116 = arith.constant 0 : i32
        %dma_wait3A_117 = tpu.memref_slice %arg11[%mul3A_0, %dma_wait3A_116] : memref<10000x32xf32, #tpu.memory_space<vmem_shared>> -> memref<632x32xf32, #tpu.memory_space<vmem_shared>>
        %dma_wait3A_118 = arith.constant 0 : i32
        %dma_wait3A_119 = tpu.memref_slice %arg2[%arg0, %mul3A_0, %dma_wait3A_118] : memref<2x10112x32xf32, #tpu.memory_space<hbm>> -> memref<1x632x32xf32, #tpu.memory_space<hbm>>
        %dma_wait3A_120 = tpu.memref_squeeze %dma_wait3A_119 : memref<1x632x32xf32, #tpu.memory_space<hbm>> -> memref<632x32xf32, #tpu.memory_space<hbm>>
        tpu.wait_dma2 semaphore(%run_scoped3A : memref<!tpu.dma_semaphore, #tpu.memory_space<semaphore_mem>>) src(%dma_wait3A_120 : memref<632x32xf32, #tpu.memory_space<hbm>>) dst(%dma_wait3A_117 : memref<632x32xf32, #tpu.memory_space<vmem_shared>>)
        tpu.yield
      }) : () -> ()
    } else {
    }
    %eq3A = arith.constant 15 : i32
    %eq3A_3 = arith.cmpi eq, %arg1, %eq3A : i32
    %convert_element_type3A_4 = arith.extui %eq3A_3 : i1 to i32
    %cond3A_5 = arith.constant 0 : i32
    %cond3A_6 = arith.cmpi ne, %convert_element_type3A_4, %cond3A_5 : i32
    scf.if %cond3A_6 {
      "tpu.region"() ({
        %run_scoped3A = tpu.sem_alloc : memref<!tpu.dma_semaphore, #tpu.memory_space<semaphore_mem>>
        %dma_start3A_111 = arith.constant 9480 : i32
        %dma_start3A_112 = arith.constant 0 : i32
        %dma_start3A_113 = tpu.memref_slice %arg11[%dma_start3A_111, %dma_start3A_112] : memref<10000x32xf32, #tpu.memory_space<vmem_shared>> -> memref<520x32xf32, #tpu.memory_space<vmem_shared>>
        %dma_start3A_114 = arith.constant 9480 : i32
        %dma_start3A_115 = arith.constant 0 : i32
        %dma_start3A_116 = tpu.memref_slice %arg2[%arg0, %dma_start3A_114, %dma_start3A_115] : memref<2x10112x32xf32, #tpu.memory_space<hbm>> -> memref<1x520x32xf32, #tpu.memory_space<hbm>>
        %dma_start3A_117 = tpu.memref_squeeze %dma_start3A_116 : memref<1x520x32xf32, #tpu.memory_space<hbm>> -> memref<520x32xf32, #tpu.memory_space<hbm>>
        tpu.enqueue_dma source(%dma_start3A_117 : memref<520x32xf32, #tpu.memory_space<hbm>>) target(%dma_start3A_113 : memref<520x32xf32, #tpu.memory_space<vmem_shared>>) target_semaphore(%run_scoped3A : memref<!tpu.dma_semaphore, #tpu.memory_space<semaphore_mem>>)
        %dma_wait3A_118 = arith.constant 9480 : i32
        %dma_wait3A_119 = arith.constant 0 : i32
        %dma_wait3A_120 = tpu.memref_slice %arg11[%dma_wait3A_118, %dma_wait3A_119] : memref<10000x32xf32, #tpu.memory_space<vmem_shared>> -> memref<520x32xf32, #tpu.memory_space<vmem_shared>>
        %dma_wait3A_121 = arith.constant 9480 : i32
        %dma_wait3A_122 = arith.constant 0 : i32
        %dma_wait3A_123 = tpu.memref_slice %arg2[%arg0, %dma_wait3A_121, %dma_wait3A_122] : memref<2x10112x32xf32, #tpu.memory_space<hbm>> -> memref<1x520x32xf32, #tpu.memory_space<hbm>>
        %dma_wait3A_124 = tpu.memref_squeeze %dma_wait3A_123 : memref<1x520x32xf32, #tpu.memory_space<hbm>> -> memref<520x32xf32, #tpu.memory_space<hbm>>
        tpu.wait_dma2 semaphore(%run_scoped3A : memref<!tpu.dma_semaphore, #tpu.memory_space<semaphore_mem>>) src(%dma_wait3A_124 : memref<520x32xf32, #tpu.memory_space<hbm>>) dst(%dma_wait3A_120 : memref<520x32xf32, #tpu.memory_space<vmem_shared>>)
        tpu.yield
      }) : () -> ()
    } else {
    }
    %mul3A_7 = arith.constant 160 : i32
    %mul3A_8 = arith.muli %arg1, %mul3A_7 : i32
    "tpu.region"() ({
      %run_scoped3A = tpu.sem_alloc : memref<!tpu.dma_semaphore, #tpu.memory_space<semaphore_mem>>
      %dma_start3A_111 = arith.constant 0 : i32
      %dma_start3A_112 = tpu.memref_slice %arg3[%mul3A_8, %dma_start3A_111] : memref<2560x128xi32, #tpu.memory_space<hbm>> -> memref<160x128xi32, #tpu.memory_space<hbm>>
      %dma_start3A_113 = arith.constant 0 : i32
      %dma_start3A_114 = tpu.memref_slice %arg3[%mul3A_8, %dma_start3A_113] : memref<2560x128xi32, #tpu.memory_space<hbm>> -> memref<160x128xi32, #tpu.memory_space<hbm>>
      tpu.enqueue_dma source(%dma_start3A_114 : memref<160x128xi32, #tpu.memory_space<hbm>>) target(%arg7 : memref<160x128xi32, #tpu.memory_space<vmem>>) target_semaphore(%run_scoped3A : memref<!tpu.dma_semaphore, #tpu.memory_space<semaphore_mem>>)
      %dma_wait3A_115 = arith.constant 0 : i32
      %dma_wait3A_116 = tpu.memref_slice %arg3[%mul3A_8, %dma_wait3A_115] : memref<2560x128xi32, #tpu.memory_space<hbm>> -> memref<160x128xi32, #tpu.memory_space<hbm>>
      %dma_wait3A_117 = arith.constant 0 : i32
      %dma_wait3A_118 = tpu.memref_slice %arg3[%mul3A_8, %dma_wait3A_117] : memref<2560x128xi32, #tpu.memory_space<hbm>> -> memref<160x128xi32, #tpu.memory_space<hbm>>
      tpu.wait_dma2 semaphore(%run_scoped3A : memref<!tpu.dma_semaphore, #tpu.memory_space<semaphore_mem>>) src(%dma_wait3A_118 : memref<160x128xi32, #tpu.memory_space<hbm>>) dst(%arg7 : memref<160x128xi32, #tpu.memory_space<vmem>>)
      tpu.yield
    }) : () -> ()
    %mul3A_9 = arith.constant 160 : i32
    %mul3A_10 = arith.muli %arg1, %mul3A_9 : i32
    "tpu.region"() ({
      %run_scoped3A = tpu.sem_alloc : memref<!tpu.dma_semaphore, #tpu.memory_space<semaphore_mem>>
      %dma_start3A_111 = arith.constant 0 : i32
      %dma_start3A_112 = tpu.memref_slice %arg4[%mul3A_10, %dma_start3A_111] : memref<2560x128xi32, #tpu.memory_space<hbm>> -> memref<160x128xi32, #tpu.memory_space<hbm>>
      %dma_start3A_113 = arith.constant 0 : i32
      %dma_start3A_114 = tpu.memref_slice %arg4[%mul3A_10, %dma_start3A_113] : memref<2560x128xi32, #tpu.memory_space<hbm>> -> memref<160x128xi32, #tpu.memory_space<hbm>>
      tpu.enqueue_dma source(%dma_start3A_114 : memref<160x128xi32, #tpu.memory_space<hbm>>) target(%arg8 : memref<160x128xi32, #tpu.memory_space<vmem>>) target_semaphore(%run_scoped3A : memref<!tpu.dma_semaphore, #tpu.memory_space<semaphore_mem>>)
      %dma_wait3A_115 = arith.constant 0 : i32
      %dma_wait3A_116 = tpu.memref_slice %arg4[%mul3A_10, %dma_wait3A_115] : memref<2560x128xi32, #tpu.memory_space<hbm>> -> memref<160x128xi32, #tpu.memory_space<hbm>>
      %dma_wait3A_117 = arith.constant 0 : i32
      %dma_wait3A_118 = tpu.memref_slice %arg4[%mul3A_10, %dma_wait3A_117] : memref<2560x128xi32, #tpu.memory_space<hbm>> -> memref<160x128xi32, #tpu.memory_space<hbm>>
      tpu.wait_dma2 semaphore(%run_scoped3A : memref<!tpu.dma_semaphore, #tpu.memory_space<semaphore_mem>>) src(%dma_wait3A_118 : memref<160x128xi32, #tpu.memory_space<hbm>>) dst(%arg8 : memref<160x128xi32, #tpu.memory_space<vmem>>)
      tpu.yield
    }) : () -> ()
    %barrier3A = arith.constant 0 : index
    tpu.barrier barrier_id(%barrier3A)
    %dma_start3A = arith.constant 0 : i32
    %dma_start3A_11 = arith.constant 0 : i32
    %dma_start3A_12 = arith.constant 0 : i32
    %dma_start3A_13 = arith.constant 0 : i32
    %dma_start3A_14 = tpu.memref_slice %arg9[%dma_start3A_11, %dma_start3A_12, %dma_start3A_13] : memref<8x128x32xf32, #tpu.memory_space<vmem>> -> memref<1x128x32xf32, #tpu.memory_space<vmem>>
    %dma_start3A_15 = tpu.memref_squeeze %dma_start3A_14 : memref<1x128x32xf32, #tpu.memory_space<vmem>> -> memref<128x32xf32, #tpu.memory_space<vmem>>
    %dma_start3A_16 = arith.constant 0 : i32
    %dma_start3A_17 = tpu.memref_slice %arg7[%dma_start3A, %dma_start3A_16] : memref<160x128xi32, #tpu.memory_space<vmem>> -> memref<1x128xi32, #tpu.memory_space<vmem>>
    %dma_start3A_18 = tpu.memref_squeeze %dma_start3A_17 : memref<1x128xi32, #tpu.memory_space<vmem>> -> memref<128xi32, #tpu.memory_space<vmem>>
    %dma_start3A_19 = arith.constant 0 : i32
    %dma_start3A_20 = arith.constant 0 : i32
    %dma_start3A_21 = tpu.memref_slice %arg11[%dma_start3A_19, %dma_start3A_20] : memref<10000x32xf32, #tpu.memory_space<vmem_shared>> -> memref<10000x32xf32, #tpu.memory_space<vmem_shared>>
    tpu.enqueue_indirect_dma source(%dma_start3A_21 : memref<10000x32xf32, #tpu.memory_space<vmem_shared>>) target(%dma_start3A_15 : memref<128x32xf32, #tpu.memory_space<vmem>>) offsets(%dma_start3A_18 : memref<128xi32, #tpu.memory_space<vmem>>) semaphore(%arg12 : memref<!tpu.dma_semaphore, #tpu.memory_space<semaphore_mem>>)
    %dma_start3A_22 = arith.constant 1 : i32
    %dma_start3A_23 = arith.constant 1 : i32
    %dma_start3A_24 = arith.constant 0 : i32
    %dma_start3A_25 = arith.constant 0 : i32
    %dma_start3A_26 = tpu.memref_slice %arg9[%dma_start3A_23, %dma_start3A_24, %dma_start3A_25] : memref<8x128x32xf32, #tpu.memory_space<vmem>> -> memref<1x128x32xf32, #tpu.memory_space<vmem>>
    %dma_start3A_27 = tpu.memref_squeeze %dma_start3A_26 : memref<1x128x32xf32, #tpu.memory_space<vmem>> -> memref<128x32xf32, #tpu.memory_space<vmem>>
    %dma_start3A_28 = arith.constant 0 : i32
    %dma_start3A_29 = tpu.memref_slice %arg7[%dma_start3A_22, %dma_start3A_28] : memref<160x128xi32, #tpu.memory_space<vmem>> -> memref<1x128xi32, #tpu.memory_space<vmem>>
    %dma_start3A_30 = tpu.memref_squeeze %dma_start3A_29 : memref<1x128xi32, #tpu.memory_space<vmem>> -> memref<128xi32, #tpu.memory_space<vmem>>
    %dma_start3A_31 = arith.constant 0 : i32
    %dma_start3A_32 = arith.constant 0 : i32
    %dma_start3A_33 = tpu.memref_slice %arg11[%dma_start3A_31, %dma_start3A_32] : memref<10000x32xf32, #tpu.memory_space<vmem_shared>> -> memref<10000x32xf32, #tpu.memory_space<vmem_shared>>
    tpu.enqueue_indirect_dma source(%dma_start3A_33 : memref<10000x32xf32, #tpu.memory_space<vmem_shared>>) target(%dma_start3A_27 : memref<128x32xf32, #tpu.memory_space<vmem>>) offsets(%dma_start3A_30 : memref<128xi32, #tpu.memory_space<vmem>>) semaphore(%arg12 : memref<!tpu.dma_semaphore, #tpu.memory_space<semaphore_mem>>)
    %dma_start3A_34 = arith.constant 2 : i32
    %dma_start3A_35 = arith.constant 2 : i32
    %dma_start3A_36 = arith.constant 0 : i32
    %dma_start3A_37 = arith.constant 0 : i32
    %dma_start3A_38 = tpu.memref_slice %arg9[%dma_start3A_35, %dma_start3A_36, %dma_start3A_37] : memref<8x128x32xf32, #tpu.memory_space<vmem>> -> memref<1x128x32xf32, #tpu.memory_space<vmem>>
    %dma_start3A_39 = tpu.memref_squeeze %dma_start3A_38 : memref<1x128x32xf32, #tpu.memory_space<vmem>> -> memref<128x32xf32, #tpu.memory_space<vmem>>
    %dma_start3A_40 = arith.constant 0 : i32
    %dma_start3A_41 = tpu.memref_slice %arg7[%dma_start3A_34, %dma_start3A_40] : memref<160x128xi32, #tpu.memory_space<vmem>> -> memref<1x128xi32, #tpu.memory_space<vmem>>
    %dma_start3A_42 = tpu.memref_squeeze %dma_start3A_41 : memref<1x128xi32, #tpu.memory_space<vmem>> -> memref<128xi32, #tpu.memory_space<vmem>>
    %dma_start3A_43 = arith.constant 0 : i32
    %dma_start3A_44 = arith.constant 0 : i32
    %dma_start3A_45 = tpu.memref_slice %arg11[%dma_start3A_43, %dma_start3A_44] : memref<10000x32xf32, #tpu.memory_space<vmem_shared>> -> memref<10000x32xf32, #tpu.memory_space<vmem_shared>>
    tpu.enqueue_indirect_dma source(%dma_start3A_45 : memref<10000x32xf32, #tpu.memory_space<vmem_shared>>) target(%dma_start3A_39 : memref<128x32xf32, #tpu.memory_space<vmem>>) offsets(%dma_start3A_42 : memref<128xi32, #tpu.memory_space<vmem>>) semaphore(%arg12 : memref<!tpu.dma_semaphore, #tpu.memory_space<semaphore_mem>>)
    %dma_start3A_46 = arith.constant 3 : i32
    %dma_start3A_47 = arith.constant 3 : i32
    %dma_start3A_48 = arith.constant 0 : i32
    %dma_start3A_49 = arith.constant 0 : i32
    %dma_start3A_50 = tpu.memref_slice %arg9[%dma_start3A_47, %dma_start3A_48, %dma_start3A_49] : memref<8x128x32xf32, #tpu.memory_space<vmem>> -> memref<1x128x32xf32, #tpu.memory_space<vmem>>
    %dma_start3A_51 = tpu.memref_squeeze %dma_start3A_50 : memref<1x128x32xf32, #tpu.memory_space<vmem>> -> memref<128x32xf32, #tpu.memory_space<vmem>>
    %dma_start3A_52 = arith.constant 0 : i32
    %dma_start3A_53 = tpu.memref_slice %arg7[%dma_start3A_46, %dma_start3A_52] : memref<160x128xi32, #tpu.memory_space<vmem>> -> memref<1x128xi32, #tpu.memory_space<vmem>>
    %dma_start3A_54 = tpu.memref_squeeze %dma_start3A_53 : memref<1x128xi32, #tpu.memory_space<vmem>> -> memref<128xi32, #tpu.memory_space<vmem>>
    %dma_start3A_55 = arith.constant 0 : i32
    %dma_start3A_56 = arith.constant 0 : i32
    %dma_start3A_57 = tpu.memref_slice %arg11[%dma_start3A_55, %dma_start3A_56] : memref<10000x32xf32, #tpu.memory_space<vmem_shared>> -> memref<10000x32xf32, #tpu.memory_space<vmem_shared>>
    tpu.enqueue_indirect_dma source(%dma_start3A_57 : memref<10000x32xf32, #tpu.memory_space<vmem_shared>>) target(%dma_start3A_51 : memref<128x32xf32, #tpu.memory_space<vmem>>) offsets(%dma_start3A_54 : memref<128xi32, #tpu.memory_space<vmem>>) semaphore(%arg12 : memref<!tpu.dma_semaphore, #tpu.memory_space<semaphore_mem>>)
    %scan3A = arith.constant 0 : i32
    %scan3A_58 = arith.constant 0 : i32
    %scan3A_59 = arith.constant 160 : i32
    %scan3A_60 = arith.addi %scan3A_58, %scan3A_59 : i32
    %scan3A_61 = arith.constant 1 : i32
    scf.for %scan3A_111 = %scan3A_58 to %scan3A_60 step %scan3A_61  : i32 {
      %rem3A = arith.constant 8 : i32
      %rem3A_112 = arith.remsi %scan3A_111, %rem3A : i32
      %add3A = arith.constant 4 : i32
      %add3A_113 = arith.addi %scan3A_111, %add3A : i32
      %rem3A_114 = arith.constant 8 : i32
      %rem3A_115 = arith.remsi %add3A_113, %rem3A_114 : i32
      %ge3A = arith.constant 4 : i32
      %ge3A_116 = arith.cmpi sge, %scan3A_111, %ge3A : i32
      %convert_element_type3A_117 = arith.extui %ge3A_116 : i1 to i32
      %cond3A_118 = arith.constant 0 : i32
      %cond3A_119 = arith.cmpi ne, %convert_element_type3A_117, %cond3A_118 : i32
      scf.if %cond3A_119 {
        %sub3A = arith.constant 4 : i32
        %sub3A_147 = arith.subi %scan3A_111, %sub3A : i32
        %dma_wait3A_148 = arith.constant 0 : i32
        %dma_wait3A_149 = arith.constant 0 : i32
        %dma_wait3A_150 = tpu.memref_slice %arg9[%rem3A_115, %dma_wait3A_148, %dma_wait3A_149] : memref<8x128x32xf32, #tpu.memory_space<vmem>> -> memref<1x128x32xf32, #tpu.memory_space<vmem>>
        %dma_wait3A_151 = tpu.memref_squeeze %dma_wait3A_150 : memref<1x128x32xf32, #tpu.memory_space<vmem>> -> memref<128x32xf32, #tpu.memory_space<vmem>>
        %dma_wait3A_152 = arith.constant 0 : i32
        %dma_wait3A_153 = tpu.memref_slice %arg8[%sub3A_147, %dma_wait3A_152] : memref<160x128xi32, #tpu.memory_space<vmem>> -> memref<1x128xi32, #tpu.memory_space<vmem>>
        %dma_wait3A_154 = tpu.memref_squeeze %dma_wait3A_153 : memref<1x128xi32, #tpu.memory_space<vmem>> -> memref<128xi32, #tpu.memory_space<vmem>>
        %dma_wait3A_155 = arith.constant 0 : i32
        %dma_wait3A_156 = arith.constant 0 : i32
        %dma_wait3A_157 = tpu.memref_slice %arg10[%dma_wait3A_155, %dma_wait3A_156] : memref<10112x32xf32, #tpu.memory_space<vmem_shared>> -> memref<10112x32xf32, #tpu.memory_space<vmem_shared>>
        tpu.wait_indirect_dma semaphore(%arg13 : memref<!tpu.dma_semaphore, #tpu.memory_space<semaphore_mem>>) src(%dma_wait3A_151 : memref<128x32xf32, #tpu.memory_space<vmem>>) dst(%dma_wait3A_157 : memref<10112x32xf32, #tpu.memory_space<vmem_shared>>)
      } else {
      }
      %add3A_120 = arith.constant 4 : i32
      %add3A_121 = arith.addi %scan3A_111, %add3A_120 : i32
      %lt3A_122 = arith.constant 160 : i32
      %lt3A_123 = arith.cmpi slt, %add3A_121, %lt3A_122 : i32
      %convert_element_type3A_124 = arith.extui %lt3A_123 : i1 to i32
      %cond3A_125 = arith.constant 0 : i32
      %cond3A_126 = arith.cmpi ne, %convert_element_type3A_124, %cond3A_125 : i32
      scf.if %cond3A_126 {
        %add3A_147 = arith.constant 4 : i32
        %add3A_148 = arith.addi %scan3A_111, %add3A_147 : i32
        %dma_start3A_149 = arith.constant 0 : i32
        %dma_start3A_150 = arith.constant 0 : i32
        %dma_start3A_151 = tpu.memref_slice %arg9[%rem3A_115, %dma_start3A_149, %dma_start3A_150] : memref<8x128x32xf32, #tpu.memory_space<vmem>> -> memref<1x128x32xf32, #tpu.memory_space<vmem>>
        %dma_start3A_152 = tpu.memref_squeeze %dma_start3A_151 : memref<1x128x32xf32, #tpu.memory_space<vmem>> -> memref<128x32xf32, #tpu.memory_space<vmem>>
        %dma_start3A_153 = arith.constant 0 : i32
        %dma_start3A_154 = tpu.memref_slice %arg7[%add3A_148, %dma_start3A_153] : memref<160x128xi32, #tpu.memory_space<vmem>> -> memref<1x128xi32, #tpu.memory_space<vmem>>
        %dma_start3A_155 = tpu.memref_squeeze %dma_start3A_154 : memref<1x128xi32, #tpu.memory_space<vmem>> -> memref<128xi32, #tpu.memory_space<vmem>>
        %dma_start3A_156 = arith.constant 0 : i32
        %dma_start3A_157 = arith.constant 0 : i32
        %dma_start3A_158 = tpu.memref_slice %arg11[%dma_start3A_156, %dma_start3A_157] : memref<10000x32xf32, #tpu.memory_space<vmem_shared>> -> memref<10000x32xf32, #tpu.memory_space<vmem_shared>>
        tpu.enqueue_indirect_dma source(%dma_start3A_158 : memref<10000x32xf32, #tpu.memory_space<vmem_shared>>) target(%dma_start3A_152 : memref<128x32xf32, #tpu.memory_space<vmem>>) offsets(%dma_start3A_155 : memref<128xi32, #tpu.memory_space<vmem>>) semaphore(%arg12 : memref<!tpu.dma_semaphore, #tpu.memory_space<semaphore_mem>>)
      } else {
      }
      %dma_wait3A_127 = arith.constant 0 : i32
      %dma_wait3A_128 = arith.constant 0 : i32
      %dma_wait3A_129 = tpu.memref_slice %arg9[%rem3A_112, %dma_wait3A_127, %dma_wait3A_128] : memref<8x128x32xf32, #tpu.memory_space<vmem>> -> memref<1x128x32xf32, #tpu.memory_space<vmem>>
      %dma_wait3A_130 = tpu.memref_squeeze %dma_wait3A_129 : memref<1x128x32xf32, #tpu.memory_space<vmem>> -> memref<128x32xf32, #tpu.memory_space<vmem>>
      %dma_wait3A_131 = arith.constant 0 : i32
      %dma_wait3A_132 = tpu.memref_slice %arg7[%scan3A_111, %dma_wait3A_131] : memref<160x128xi32, #tpu.memory_space<vmem>> -> memref<1x128xi32, #tpu.memory_space<vmem>>
      %dma_wait3A_133 = tpu.memref_squeeze %dma_wait3A_132 : memref<1x128xi32, #tpu.memory_space<vmem>> -> memref<128xi32, #tpu.memory_space<vmem>>
      %dma_wait3A_134 = arith.constant 0 : i32
      %dma_wait3A_135 = arith.constant 0 : i32
      %dma_wait3A_136 = tpu.memref_slice %arg11[%dma_wait3A_134, %dma_wait3A_135] : memref<10000x32xf32, #tpu.memory_space<vmem_shared>> -> memref<10000x32xf32, #tpu.memory_space<vmem_shared>>
      tpu.wait_indirect_dma semaphore(%arg12 : memref<!tpu.dma_semaphore, #tpu.memory_space<semaphore_mem>>) src(%dma_wait3A_136 : memref<10000x32xf32, #tpu.memory_space<vmem_shared>>) dst(%dma_wait3A_130 : memref<128x32xf32, #tpu.memory_space<vmem>>)
      %dma_start3A_137 = arith.constant 0 : i32
      %dma_start3A_138 = arith.constant 0 : i32
      %dma_start3A_139 = tpu.memref_slice %arg9[%rem3A_112, %dma_start3A_137, %dma_start3A_138] : memref<8x128x32xf32, #tpu.memory_space<vmem>> -> memref<1x128x32xf32, #tpu.memory_space<vmem>>
      %dma_start3A_140 = tpu.memref_squeeze %dma_start3A_139 : memref<1x128x32xf32, #tpu.memory_space<vmem>> -> memref<128x32xf32, #tpu.memory_space<vmem>>
      %dma_start3A_141 = arith.constant 0 : i32
      %dma_start3A_142 = tpu.memref_slice %arg8[%scan3A_111, %dma_start3A_141] : memref<160x128xi32, #tpu.memory_space<vmem>> -> memref<1x128xi32, #tpu.memory_space<vmem>>
      %dma_start3A_143 = tpu.memref_squeeze %dma_start3A_142 : memref<1x128xi32, #tpu.memory_space<vmem>> -> memref<128xi32, #tpu.memory_space<vmem>>
      %dma_start3A_144 = arith.constant 0 : i32
      %dma_start3A_145 = arith.constant 0 : i32
      %dma_start3A_146 = tpu.memref_slice %arg10[%dma_start3A_144, %dma_start3A_145] : memref<10112x32xf32, #tpu.memory_space<vmem_shared>> -> memref<10112x32xf32, #tpu.memory_space<vmem_shared>>
      tpu.enqueue_indirect_dma source(%dma_start3A_140 : memref<128x32xf32, #tpu.memory_space<vmem>>) target(%dma_start3A_146 : memref<10112x32xf32, #tpu.memory_space<vmem_shared>>) offsets(%dma_start3A_143 : memref<128xi32, #tpu.memory_space<vmem>>) semaphore(%arg13 : memref<!tpu.dma_semaphore, #tpu.memory_space<semaphore_mem>>) {add = true}
    }
    %scan3A_62 = arith.constant 160 : i32
    %dma_wait3A = arith.constant 4 : i32
    %dma_wait3A_63 = arith.constant 156 : i32
    %dma_wait3A_64 = arith.constant 0 : i32
    %dma_wait3A_65 = arith.constant 0 : i32
    %dma_wait3A_66 = tpu.memref_slice %arg9[%dma_wait3A, %dma_wait3A_64, %dma_wait3A_65] : memref<8x128x32xf32, #tpu.memory_space<vmem>> -> memref<1x128x32xf32, #tpu.memory_space<vmem>>
    %dma_wait3A_67 = tpu.memref_squeeze %dma_wait3A_66 : memref<1x128x32xf32, #tpu.memory_space<vmem>> -> memref<128x32xf32, #tpu.memory_space<vmem>>
    %dma_wait3A_68 = arith.constant 0 : i32
    %dma_wait3A_69 = tpu.memref_slice %arg8[%dma_wait3A_63, %dma_wait3A_68] : memref<160x128xi32, #tpu.memory_space<vmem>> -> memref<1x128xi32, #tpu.memory_space<vmem>>
    %dma_wait3A_70 = tpu.memref_squeeze %dma_wait3A_69 : memref<1x128xi32, #tpu.memory_space<vmem>> -> memref<128xi32, #tpu.memory_space<vmem>>
    %dma_wait3A_71 = arith.constant 0 : i32
    %dma_wait3A_72 = arith.constant 0 : i32
    %dma_wait3A_73 = tpu.memref_slice %arg10[%dma_wait3A_71, %dma_wait3A_72] : memref<10112x32xf32, #tpu.memory_space<vmem_shared>> -> memref<10112x32xf32, #tpu.memory_space<vmem_shared>>
    tpu.wait_indirect_dma semaphore(%arg13 : memref<!tpu.dma_semaphore, #tpu.memory_space<semaphore_mem>>) src(%dma_wait3A_67 : memref<128x32xf32, #tpu.memory_space<vmem>>) dst(%dma_wait3A_73 : memref<10112x32xf32, #tpu.memory_space<vmem_shared>>)
    %dma_wait3A_74 = arith.constant 5 : i32
    %dma_wait3A_75 = arith.constant 157 : i32
    %dma_wait3A_76 = arith.constant 0 : i32
    %dma_wait3A_77 = arith.constant 0 : i32
    %dma_wait3A_78 = tpu.memref_slice %arg9[%dma_wait3A_74, %dma_wait3A_76, %dma_wait3A_77] : memref<8x128x32xf32, #tpu.memory_space<vmem>> -> memref<1x128x32xf32, #tpu.memory_space<vmem>>
    %dma_wait3A_79 = tpu.memref_squeeze %dma_wait3A_78 : memref<1x128x32xf32, #tpu.memory_space<vmem>> -> memref<128x32xf32, #tpu.memory_space<vmem>>
    %dma_wait3A_80 = arith.constant 0 : i32
    %dma_wait3A_81 = tpu.memref_slice %arg8[%dma_wait3A_75, %dma_wait3A_80] : memref<160x128xi32, #tpu.memory_space<vmem>> -> memref<1x128xi32, #tpu.memory_space<vmem>>
    %dma_wait3A_82 = tpu.memref_squeeze %dma_wait3A_81 : memref<1x128xi32, #tpu.memory_space<vmem>> -> memref<128xi32, #tpu.memory_space<vmem>>
    %dma_wait3A_83 = arith.constant 0 : i32
    %dma_wait3A_84 = arith.constant 0 : i32
    %dma_wait3A_85 = tpu.memref_slice %arg10[%dma_wait3A_83, %dma_wait3A_84] : memref<10112x32xf32, #tpu.memory_space<vmem_shared>> -> memref<10112x32xf32, #tpu.memory_space<vmem_shared>>
    tpu.wait_indirect_dma semaphore(%arg13 : memref<!tpu.dma_semaphore, #tpu.memory_space<semaphore_mem>>) src(%dma_wait3A_79 : memref<128x32xf32, #tpu.memory_space<vmem>>) dst(%dma_wait3A_85 : memref<10112x32xf32, #tpu.memory_space<vmem_shared>>)
    %dma_wait3A_86 = arith.constant 6 : i32
    %dma_wait3A_87 = arith.constant 158 : i32
    %dma_wait3A_88 = arith.constant 0 : i32
    %dma_wait3A_89 = arith.constant 0 : i32
    %dma_wait3A_90 = tpu.memref_slice %arg9[%dma_wait3A_86, %dma_wait3A_88, %dma_wait3A_89] : memref<8x128x32xf32, #tpu.memory_space<vmem>> -> memref<1x128x32xf32, #tpu.memory_space<vmem>>
    %dma_wait3A_91 = tpu.memref_squeeze %dma_wait3A_90 : memref<1x128x32xf32, #tpu.memory_space<vmem>> -> memref<128x32xf32, #tpu.memory_space<vmem>>
    %dma_wait3A_92 = arith.constant 0 : i32
    %dma_wait3A_93 = tpu.memref_slice %arg8[%dma_wait3A_87, %dma_wait3A_92] : memref<160x128xi32, #tpu.memory_space<vmem>> -> memref<1x128xi32, #tpu.memory_space<vmem>>
    %dma_wait3A_94 = tpu.memref_squeeze %dma_wait3A_93 : memref<1x128xi32, #tpu.memory_space<vmem>> -> memref<128xi32, #tpu.memory_space<vmem>>
    %dma_wait3A_95 = arith.constant 0 : i32
    %dma_wait3A_96 = arith.constant 0 : i32
    %dma_wait3A_97 = tpu.memref_slice %arg10[%dma_wait3A_95, %dma_wait3A_96] : memref<10112x32xf32, #tpu.memory_space<vmem_shared>> -> memref<10112x32xf32, #tpu.memory_space<vmem_shared>>
    tpu.wait_indirect_dma semaphore(%arg13 : memref<!tpu.dma_semaphore, #tpu.memory_space<semaphore_mem>>) src(%dma_wait3A_91 : memref<128x32xf32, #tpu.memory_space<vmem>>) dst(%dma_wait3A_97 : memref<10112x32xf32, #tpu.memory_space<vmem_shared>>)
    %dma_wait3A_98 = arith.constant 7 : i32
    %dma_wait3A_99 = arith.constant 159 : i32
    %dma_wait3A_100 = arith.constant 0 : i32
    %dma_wait3A_101 = arith.constant 0 : i32
    %dma_wait3A_102 = tpu.memref_slice %arg9[%dma_wait3A_98, %dma_wait3A_100, %dma_wait3A_101] : memref<8x128x32xf32, #tpu.memory_space<vmem>> -> memref<1x128x32xf32, #tpu.memory_space<vmem>>
    %dma_wait3A_103 = tpu.memref_squeeze %dma_wait3A_102 : memref<1x128x32xf32, #tpu.memory_space<vmem>> -> memref<128x32xf32, #tpu.memory_space<vmem>>
    %dma_wait3A_104 = arith.constant 0 : i32
    %dma_wait3A_105 = tpu.memref_slice %arg8[%dma_wait3A_99, %dma_wait3A_104] : memref<160x128xi32, #tpu.memory_space<vmem>> -> memref<1x128xi32, #tpu.memory_space<vmem>>
    %dma_wait3A_106 = tpu.memref_squeeze %dma_wait3A_105 : memref<1x128xi32, #tpu.memory_space<vmem>> -> memref<128xi32, #tpu.memory_space<vmem>>
    %dma_wait3A_107 = arith.constant 0 : i32
    %dma_wait3A_108 = arith.constant 0 : i32
    %dma_wait3A_109 = tpu.memref_slice %arg10[%dma_wait3A_107, %dma_wait3A_108] : memref<10112x32xf32, #tpu.memory_space<vmem_shared>> -> memref<10112x32xf32, #tpu.memory_space<vmem_shared>>
    tpu.wait_indirect_dma semaphore(%arg13 : memref<!tpu.dma_semaphore, #tpu.memory_space<semaphore_mem>>) src(%dma_wait3A_103 : memref<128x32xf32, #tpu.memory_space<vmem>>) dst(%dma_wait3A_109 : memref<10112x32xf32, #tpu.memory_space<vmem_shared>>)
    %barrier3A_110 = arith.constant 0 : index
    tpu.barrier barrier_id(%barrier3A_110)
    "tpu.region"() ({
      %run_scoped3A = tpu.sem_alloc : memref<!tpu.dma_semaphore, #tpu.memory_space<semaphore_mem>>
      %dma_start3A_111 = arith.constant 0 : i32
      %dma_start3A_112 = tpu.memref_slice %arg6[%arg0, %mul3A_0, %dma_start3A_111] : memref<2x10112x32xf32, #tpu.memory_space<hbm>> -> memref<1x632x32xf32, #tpu.memory_space<hbm>>
      %dma_start3A_113 = tpu.memref_squeeze %dma_start3A_112 : memref<1x632x32xf32, #tpu.memory_space<hbm>> -> memref<632x32xf32, #tpu.memory_space<hbm>>
      %dma_start3A_114 = arith.constant 0 : i32
      %dma_start3A_115 = tpu.memref_slice %arg10[%mul3A_0, %dma_start3A_114] : memref<10112x32xf32, #tpu.memory_space<vmem_shared>> -> memref<632x32xf32, #tpu.memory_space<vmem_shared>>
      tpu.enqueue_dma source(%dma_start3A_115 : memref<632x32xf32, #tpu.memory_space<vmem_shared>>) target(%dma_start3A_113 : memref<632x32xf32, #tpu.memory_space<hbm>>) target_semaphore(%run_scoped3A : memref<!tpu.dma_semaphore, #tpu.memory_space<semaphore_mem>>)
      %dma_wait3A_116 = arith.constant 0 : i32
      %dma_wait3A_117 = tpu.memref_slice %arg6[%arg0, %mul3A_0, %dma_wait3A_116] : memref<2x10112x32xf32, #tpu.memory_space<hbm>> -> memref<1x632x32xf32, #tpu.memory_space<hbm>>
      %dma_wait3A_118 = tpu.memref_squeeze %dma_wait3A_117 : memref<1x632x32xf32, #tpu.memory_space<hbm>> -> memref<632x32xf32, #tpu.memory_space<hbm>>
      %dma_wait3A_119 = arith.constant 0 : i32
      %dma_wait3A_120 = tpu.memref_slice %arg10[%mul3A_0, %dma_wait3A_119] : memref<10112x32xf32, #tpu.memory_space<vmem_shared>> -> memref<632x32xf32, #tpu.memory_space<vmem_shared>>
      tpu.wait_dma2 semaphore(%run_scoped3A : memref<!tpu.dma_semaphore, #tpu.memory_space<semaphore_mem>>) src(%dma_wait3A_120 : memref<632x32xf32, #tpu.memory_space<vmem_shared>>) dst(%dma_wait3A_118 : memref<632x32xf32, #tpu.memory_space<hbm>>)
      tpu.yield
    }) : () -> ()
    return
  }
}

#map = affine_map<(d0, d1) -> (0, 0, 0)>
#map1 = affine_map<(d0, d1) -> (0, 0)>
module attributes {stable_mosaic.version = 14 : i64} {
  func.func @_sc_body(%arg0: i32, %arg1: i32, %arg2: memref<2x10112x32xf32, #tpu.memory_space<hbm>>, %arg3: memref<2560x128xi32, #tpu.memory_space<hbm>>, %arg4: memref<2560x128xi32, #tpu.memory_space<hbm>>, %arg5: memref<10112x32xf32, #tpu.memory_space<hbm>>, %arg6: memref<2x10112x32xf32, #tpu.memory_space<hbm>>, %arg7: memref<160x128xi32, #tpu.memory_space<vmem>>, %arg8: memref<160x128xi32, #tpu.memory_space<vmem>>, %arg9: memref<8x128x32xf32, #tpu.memory_space<vmem>>, %arg10: memref<10112x32xf32, #tpu.memory_space<vmem_shared>>, %arg11: memref<10000x32xf32, #tpu.memory_space<vmem_shared>>, %arg12: memref<!tpu.dma_semaphore, #tpu.memory_space<semaphore_mem>>, %arg13: memref<!tpu.dma_semaphore, #tpu.memory_space<semaphore_mem>>) attributes {dimension_semantics = [#tpu.dimension_semantics<core_parallel>, #tpu.dimension_semantics<subcore_parallel>], iteration_bounds = array<i64: 2, 16>, scalar_prefetch = 0 : i64, scratch_operands = 7 : i64, tpu.core_type = #tpu.core_type<sc_vector_subcore>, window_params = [{transform_indices = #map}, {transform_indices = #map1}, {transform_indices = #map1}, {transform_indices = #map1}, {transform_indices = #map}]} {
    %mul3A = arith.constant 632 : i32
    %mul3A_0 = arith.muli %arg1, %mul3A : i32
    "tpu.region"() ({
      %run_scoped3A = tpu.sem_alloc : memref<!tpu.dma_semaphore, #tpu.memory_space<semaphore_mem>>
      %dma_start3A_111 = arith.constant 0 : i32
      %dma_start3A_112 = tpu.memref_slice %arg10[%mul3A_0, %dma_start3A_111] : memref<10112x32xf32, #tpu.memory_space<vmem_shared>> -> memref<632x32xf32, #tpu.memory_space<vmem_shared>>
      %dma_start3A_113 = arith.constant 0 : i32
      %dma_start3A_114 = tpu.memref_slice %arg5[%mul3A_0, %dma_start3A_113] : memref<10112x32xf32, #tpu.memory_space<hbm>> -> memref<632x32xf32, #tpu.memory_space<hbm>>
      tpu.enqueue_dma source(%dma_start3A_114 : memref<632x32xf32, #tpu.memory_space<hbm>>) target(%dma_start3A_112 : memref<632x32xf32, #tpu.memory_space<vmem_shared>>) target_semaphore(%run_scoped3A : memref<!tpu.dma_semaphore, #tpu.memory_space<semaphore_mem>>)
      %dma_wait3A_115 = arith.constant 0 : i32
      %dma_wait3A_116 = tpu.memref_slice %arg10[%mul3A_0, %dma_wait3A_115] : memref<10112x32xf32, #tpu.memory_space<vmem_shared>> -> memref<632x32xf32, #tpu.memory_space<vmem_shared>>
      %dma_wait3A_117 = arith.constant 0 : i32
      %dma_wait3A_118 = tpu.memref_slice %arg5[%mul3A_0, %dma_wait3A_117] : memref<10112x32xf32, #tpu.memory_space<hbm>> -> memref<632x32xf32, #tpu.memory_space<hbm>>
      tpu.wait_dma2 semaphore(%run_scoped3A : memref<!tpu.dma_semaphore, #tpu.memory_space<semaphore_mem>>) src(%dma_wait3A_118 : memref<632x32xf32, #tpu.memory_space<hbm>>) dst(%dma_wait3A_116 : memref<632x32xf32, #tpu.memory_space<vmem_shared>>)
      tpu.yield
    }) : () -> ()
    %lt3A = arith.constant 15 : i32
    %lt3A_1 = arith.cmpi slt, %arg1, %lt3A : i32
    %convert_element_type3A = arith.extui %lt3A_1 : i1 to i32
    %cond3A = arith.constant 0 : i32
    %cond3A_2 = arith.cmpi ne, %convert_element_type3A, %cond3A : i32
    scf.if %cond3A_2 {
      "tpu.region"() ({
        %run_scoped3A = tpu.sem_alloc : memref<!tpu.dma_semaphore, #tpu.memory_space<semaphore_mem>>
        %dma_start3A_111 = arith.constant 0 : i32
        %dma_start3A_112 = tpu.memref_slice %arg11[%mul3A_0, %dma_start3A_111] : memref<10000x32xf32, #tpu.memory_space<vmem_shared>> -> memref<632x32xf32, #tpu.memory_space<vmem_shared>>
        %dma_start3A_113 = arith.constant 0 : i32
        %dma_start3A_114 = tpu.memref_slice %arg2[%arg0, %mul3A_0, %dma_start3A_113] : memref<2x10112x32xf32, #tpu.memory_space<hbm>> -> memref<1x632x32xf32, #tpu.memory_space<hbm>>
        %dma_start3A_115 = tpu.memref_squeeze %dma_start3A_114 : memref<1x632x32xf32, #tpu.memory_space<hbm>> -> memref<632x32xf32, #tpu.memory_space<hbm>>
        tpu.enqueue_dma source(%dma_start3A_115 : memref<632x32xf32, #tpu.memory_space<hbm>>) target(%dma_start3A_112 : memref<632x32xf32, #tpu.memory_space<vmem_shared>>) target_semaphore(%run_scoped3A : memref<!tpu.dma_semaphore, #tpu.memory_space<semaphore_mem>>)
        %dma_wait3A_116 = arith.constant 0 : i32
        %dma_wait3A_117 = tpu.memref_slice %arg11[%mul3A_0, %dma_wait3A_116] : memref<10000x32xf32, #tpu.memory_space<vmem_shared>> -> memref<632x32xf32, #tpu.memory_space<vmem_shared>>
        %dma_wait3A_118 = arith.constant 0 : i32
        %dma_wait3A_119 = tpu.memref_slice %arg2[%arg0, %mul3A_0, %dma_wait3A_118] : memref<2x10112x32xf32, #tpu.memory_space<hbm>> -> memref<1x632x32xf32, #tpu.memory_space<hbm>>
        %dma_wait3A_120 = tpu.memref_squeeze %dma_wait3A_119 : memref<1x632x32xf32, #tpu.memory_space<hbm>> -> memref<632x32xf32, #tpu.memory_space<hbm>>
        tpu.wait_dma2 semaphore(%run_scoped3A : memref<!tpu.dma_semaphore, #tpu.memory_space<semaphore_mem>>) src(%dma_wait3A_120 : memref<632x32xf32, #tpu.memory_space<hbm>>) dst(%dma_wait3A_117 : memref<632x32xf32, #tpu.memory_space<vmem_shared>>)
        tpu.yield
      }) : () -> ()
    } else {
    }
    %eq3A = arith.constant 15 : i32
    %eq3A_3 = arith.cmpi eq, %arg1, %eq3A : i32
    %convert_element_type3A_4 = arith.extui %eq3A_3 : i1 to i32
    %cond3A_5 = arith.constant 0 : i32
    %cond3A_6 = arith.cmpi ne, %convert_element_type3A_4, %cond3A_5 : i32
    scf.if %cond3A_6 {
      "tpu.region"() ({
        %run_scoped3A = tpu.sem_alloc : memref<!tpu.dma_semaphore, #tpu.memory_space<semaphore_mem>>
        %dma_start3A_111 = arith.constant 9480 : i32
        %dma_start3A_112 = arith.constant 0 : i32
        %dma_start3A_113 = tpu.memref_slice %arg11[%dma_start3A_111, %dma_start3A_112] : memref<10000x32xf32, #tpu.memory_space<vmem_shared>> -> memref<520x32xf32, #tpu.memory_space<vmem_shared>>
        %dma_start3A_114 = arith.constant 9480 : i32
        %dma_start3A_115 = arith.constant 0 : i32
        %dma_start3A_116 = tpu.memref_slice %arg2[%arg0, %dma_start3A_114, %dma_start3A_115] : memref<2x10112x32xf32, #tpu.memory_space<hbm>> -> memref<1x520x32xf32, #tpu.memory_space<hbm>>
        %dma_start3A_117 = tpu.memref_squeeze %dma_start3A_116 : memref<1x520x32xf32, #tpu.memory_space<hbm>> -> memref<520x32xf32, #tpu.memory_space<hbm>>
        tpu.enqueue_dma source(%dma_start3A_117 : memref<520x32xf32, #tpu.memory_space<hbm>>) target(%dma_start3A_113 : memref<520x32xf32, #tpu.memory_space<vmem_shared>>) target_semaphore(%run_scoped3A : memref<!tpu.dma_semaphore, #tpu.memory_space<semaphore_mem>>)
        %dma_wait3A_118 = arith.constant 9480 : i32
        %dma_wait3A_119 = arith.constant 0 : i32
        %dma_wait3A_120 = tpu.memref_slice %arg11[%dma_wait3A_118, %dma_wait3A_119] : memref<10000x32xf32, #tpu.memory_space<vmem_shared>> -> memref<520x32xf32, #tpu.memory_space<vmem_shared>>
        %dma_wait3A_121 = arith.constant 9480 : i32
        %dma_wait3A_122 = arith.constant 0 : i32
        %dma_wait3A_123 = tpu.memref_slice %arg2[%arg0, %dma_wait3A_121, %dma_wait3A_122] : memref<2x10112x32xf32, #tpu.memory_space<hbm>> -> memref<1x520x32xf32, #tpu.memory_space<hbm>>
        %dma_wait3A_124 = tpu.memref_squeeze %dma_wait3A_123 : memref<1x520x32xf32, #tpu.memory_space<hbm>> -> memref<520x32xf32, #tpu.memory_space<hbm>>
        tpu.wait_dma2 semaphore(%run_scoped3A : memref<!tpu.dma_semaphore, #tpu.memory_space<semaphore_mem>>) src(%dma_wait3A_124 : memref<520x32xf32, #tpu.memory_space<hbm>>) dst(%dma_wait3A_120 : memref<520x32xf32, #tpu.memory_space<vmem_shared>>)
        tpu.yield
      }) : () -> ()
    } else {
    }
    %mul3A_7 = arith.constant 160 : i32
    %mul3A_8 = arith.muli %arg1, %mul3A_7 : i32
    "tpu.region"() ({
      %run_scoped3A = tpu.sem_alloc : memref<!tpu.dma_semaphore, #tpu.memory_space<semaphore_mem>>
      %dma_start3A_111 = arith.constant 0 : i32
      %dma_start3A_112 = tpu.memref_slice %arg3[%mul3A_8, %dma_start3A_111] : memref<2560x128xi32, #tpu.memory_space<hbm>> -> memref<160x128xi32, #tpu.memory_space<hbm>>
      %dma_start3A_113 = arith.constant 0 : i32
      %dma_start3A_114 = tpu.memref_slice %arg3[%mul3A_8, %dma_start3A_113] : memref<2560x128xi32, #tpu.memory_space<hbm>> -> memref<160x128xi32, #tpu.memory_space<hbm>>
      tpu.enqueue_dma source(%dma_start3A_114 : memref<160x128xi32, #tpu.memory_space<hbm>>) target(%arg7 : memref<160x128xi32, #tpu.memory_space<vmem>>) target_semaphore(%run_scoped3A : memref<!tpu.dma_semaphore, #tpu.memory_space<semaphore_mem>>)
      %dma_wait3A_115 = arith.constant 0 : i32
      %dma_wait3A_116 = tpu.memref_slice %arg3[%mul3A_8, %dma_wait3A_115] : memref<2560x128xi32, #tpu.memory_space<hbm>> -> memref<160x128xi32, #tpu.memory_space<hbm>>
      %dma_wait3A_117 = arith.constant 0 : i32
      %dma_wait3A_118 = tpu.memref_slice %arg3[%mul3A_8, %dma_wait3A_117] : memref<2560x128xi32, #tpu.memory_space<hbm>> -> memref<160x128xi32, #tpu.memory_space<hbm>>
      tpu.wait_dma2 semaphore(%run_scoped3A : memref<!tpu.dma_semaphore, #tpu.memory_space<semaphore_mem>>) src(%dma_wait3A_118 : memref<160x128xi32, #tpu.memory_space<hbm>>) dst(%arg7 : memref<160x128xi32, #tpu.memory_space<vmem>>)
      tpu.yield
    }) : () -> ()
    %mul3A_9 = arith.constant 160 : i32
    %mul3A_10 = arith.muli %arg1, %mul3A_9 : i32
    "tpu.region"() ({
      %run_scoped3A = tpu.sem_alloc : memref<!tpu.dma_semaphore, #tpu.memory_space<semaphore_mem>>
      %dma_start3A_111 = arith.constant 0 : i32
      %dma_start3A_112 = tpu.memref_slice %arg4[%mul3A_10, %dma_start3A_111] : memref<2560x128xi32, #tpu.memory_space<hbm>> -> memref<160x128xi32, #tpu.memory_space<hbm>>
      %dma_start3A_113 = arith.constant 0 : i32
      %dma_start3A_114 = tpu.memref_slice %arg4[%mul3A_10, %dma_start3A_113] : memref<2560x128xi32, #tpu.memory_space<hbm>> -> memref<160x128xi32, #tpu.memory_space<hbm>>
      tpu.enqueue_dma source(%dma_start3A_114 : memref<160x128xi32, #tpu.memory_space<hbm>>) target(%arg8 : memref<160x128xi32, #tpu.memory_space<vmem>>) target_semaphore(%run_scoped3A : memref<!tpu.dma_semaphore, #tpu.memory_space<semaphore_mem>>)
      %dma_wait3A_115 = arith.constant 0 : i32
      %dma_wait3A_116 = tpu.memref_slice %arg4[%mul3A_10, %dma_wait3A_115] : memref<2560x128xi32, #tpu.memory_space<hbm>> -> memref<160x128xi32, #tpu.memory_space<hbm>>
      %dma_wait3A_117 = arith.constant 0 : i32
      %dma_wait3A_118 = tpu.memref_slice %arg4[%mul3A_10, %dma_wait3A_117] : memref<2560x128xi32, #tpu.memory_space<hbm>> -> memref<160x128xi32, #tpu.memory_space<hbm>>
      tpu.wait_dma2 semaphore(%run_scoped3A : memref<!tpu.dma_semaphore, #tpu.memory_space<semaphore_mem>>) src(%dma_wait3A_118 : memref<160x128xi32, #tpu.memory_space<hbm>>) dst(%arg8 : memref<160x128xi32, #tpu.memory_space<vmem>>)
      tpu.yield
    }) : () -> ()
    %barrier3A = arith.constant 0 : index
    tpu.barrier barrier_id(%barrier3A)
    %dma_start3A = arith.constant 0 : i32
    %dma_start3A_11 = arith.constant 0 : i32
    %dma_start3A_12 = arith.constant 0 : i32
    %dma_start3A_13 = arith.constant 0 : i32
    %dma_start3A_14 = tpu.memref_slice %arg9[%dma_start3A_11, %dma_start3A_12, %dma_start3A_13] : memref<8x128x32xf32, #tpu.memory_space<vmem>> -> memref<1x128x32xf32, #tpu.memory_space<vmem>>
    %dma_start3A_15 = tpu.memref_squeeze %dma_start3A_14 : memref<1x128x32xf32, #tpu.memory_space<vmem>> -> memref<128x32xf32, #tpu.memory_space<vmem>>
    %dma_start3A_16 = arith.constant 0 : i32
    %dma_start3A_17 = tpu.memref_slice %arg7[%dma_start3A, %dma_start3A_16] : memref<160x128xi32, #tpu.memory_space<vmem>> -> memref<1x128xi32, #tpu.memory_space<vmem>>
    %dma_start3A_18 = tpu.memref_squeeze %dma_start3A_17 : memref<1x128xi32, #tpu.memory_space<vmem>> -> memref<128xi32, #tpu.memory_space<vmem>>
    %dma_start3A_19 = arith.constant 0 : i32
    %dma_start3A_20 = arith.constant 0 : i32
    %dma_start3A_21 = tpu.memref_slice %arg11[%dma_start3A_19, %dma_start3A_20] : memref<10000x32xf32, #tpu.memory_space<vmem_shared>> -> memref<10000x32xf32, #tpu.memory_space<vmem_shared>>
    tpu.enqueue_indirect_dma source(%dma_start3A_21 : memref<10000x32xf32, #tpu.memory_space<vmem_shared>>) target(%dma_start3A_15 : memref<128x32xf32, #tpu.memory_space<vmem>>) offsets(%dma_start3A_18 : memref<128xi32, #tpu.memory_space<vmem>>) semaphore(%arg12 : memref<!tpu.dma_semaphore, #tpu.memory_space<semaphore_mem>>)
    %dma_start3A_22 = arith.constant 1 : i32
    %dma_start3A_23 = arith.constant 1 : i32
    %dma_start3A_24 = arith.constant 0 : i32
    %dma_start3A_25 = arith.constant 0 : i32
    %dma_start3A_26 = tpu.memref_slice %arg9[%dma_start3A_23, %dma_start3A_24, %dma_start3A_25] : memref<8x128x32xf32, #tpu.memory_space<vmem>> -> memref<1x128x32xf32, #tpu.memory_space<vmem>>
    %dma_start3A_27 = tpu.memref_squeeze %dma_start3A_26 : memref<1x128x32xf32, #tpu.memory_space<vmem>> -> memref<128x32xf32, #tpu.memory_space<vmem>>
    %dma_start3A_28 = arith.constant 0 : i32
    %dma_start3A_29 = tpu.memref_slice %arg7[%dma_start3A_22, %dma_start3A_28] : memref<160x128xi32, #tpu.memory_space<vmem>> -> memref<1x128xi32, #tpu.memory_space<vmem>>
    %dma_start3A_30 = tpu.memref_squeeze %dma_start3A_29 : memref<1x128xi32, #tpu.memory_space<vmem>> -> memref<128xi32, #tpu.memory_space<vmem>>
    %dma_start3A_31 = arith.constant 0 : i32
    %dma_start3A_32 = arith.constant 0 : i32
    %dma_start3A_33 = tpu.memref_slice %arg11[%dma_start3A_31, %dma_start3A_32] : memref<10000x32xf32, #tpu.memory_space<vmem_shared>> -> memref<10000x32xf32, #tpu.memory_space<vmem_shared>>
    tpu.enqueue_indirect_dma source(%dma_start3A_33 : memref<10000x32xf32, #tpu.memory_space<vmem_shared>>) target(%dma_start3A_27 : memref<128x32xf32, #tpu.memory_space<vmem>>) offsets(%dma_start3A_30 : memref<128xi32, #tpu.memory_space<vmem>>) semaphore(%arg12 : memref<!tpu.dma_semaphore, #tpu.memory_space<semaphore_mem>>)
    %dma_start3A_34 = arith.constant 2 : i32
    %dma_start3A_35 = arith.constant 2 : i32
    %dma_start3A_36 = arith.constant 0 : i32
    %dma_start3A_37 = arith.constant 0 : i32
    %dma_start3A_38 = tpu.memref_slice %arg9[%dma_start3A_35, %dma_start3A_36, %dma_start3A_37] : memref<8x128x32xf32, #tpu.memory_space<vmem>> -> memref<1x128x32xf32, #tpu.memory_space<vmem>>
    %dma_start3A_39 = tpu.memref_squeeze %dma_start3A_38 : memref<1x128x32xf32, #tpu.memory_space<vmem>> -> memref<128x32xf32, #tpu.memory_space<vmem>>
    %dma_start3A_40 = arith.constant 0 : i32
    %dma_start3A_41 = tpu.memref_slice %arg7[%dma_start3A_34, %dma_start3A_40] : memref<160x128xi32, #tpu.memory_space<vmem>> -> memref<1x128xi32, #tpu.memory_space<vmem>>
    %dma_start3A_42 = tpu.memref_squeeze %dma_start3A_41 : memref<1x128xi32, #tpu.memory_space<vmem>> -> memref<128xi32, #tpu.memory_space<vmem>>
    %dma_start3A_43 = arith.constant 0 : i32
    %dma_start3A_44 = arith.constant 0 : i32
    %dma_start3A_45 = tpu.memref_slice %arg11[%dma_start3A_43, %dma_start3A_44] : memref<10000x32xf32, #tpu.memory_space<vmem_shared>> -> memref<10000x32xf32, #tpu.memory_space<vmem_shared>>
    tpu.enqueue_indirect_dma source(%dma_start3A_45 : memref<10000x32xf32, #tpu.memory_space<vmem_shared>>) target(%dma_start3A_39 : memref<128x32xf32, #tpu.memory_space<vmem>>) offsets(%dma_start3A_42 : memref<128xi32, #tpu.memory_space<vmem>>) semaphore(%arg12 : memref<!tpu.dma_semaphore, #tpu.memory_space<semaphore_mem>>)
    %dma_start3A_46 = arith.constant 3 : i32
    %dma_start3A_47 = arith.constant 3 : i32
    %dma_start3A_48 = arith.constant 0 : i32
    %dma_start3A_49 = arith.constant 0 : i32
    %dma_start3A_50 = tpu.memref_slice %arg9[%dma_start3A_47, %dma_start3A_48, %dma_start3A_49] : memref<8x128x32xf32, #tpu.memory_space<vmem>> -> memref<1x128x32xf32, #tpu.memory_space<vmem>>
    %dma_start3A_51 = tpu.memref_squeeze %dma_start3A_50 : memref<1x128x32xf32, #tpu.memory_space<vmem>> -> memref<128x32xf32, #tpu.memory_space<vmem>>
    %dma_start3A_52 = arith.constant 0 : i32
    %dma_start3A_53 = tpu.memref_slice %arg7[%dma_start3A_46, %dma_start3A_52] : memref<160x128xi32, #tpu.memory_space<vmem>> -> memref<1x128xi32, #tpu.memory_space<vmem>>
    %dma_start3A_54 = tpu.memref_squeeze %dma_start3A_53 : memref<1x128xi32, #tpu.memory_space<vmem>> -> memref<128xi32, #tpu.memory_space<vmem>>
    %dma_start3A_55 = arith.constant 0 : i32
    %dma_start3A_56 = arith.constant 0 : i32
    %dma_start3A_57 = tpu.memref_slice %arg11[%dma_start3A_55, %dma_start3A_56] : memref<10000x32xf32, #tpu.memory_space<vmem_shared>> -> memref<10000x32xf32, #tpu.memory_space<vmem_shared>>
    tpu.enqueue_indirect_dma source(%dma_start3A_57 : memref<10000x32xf32, #tpu.memory_space<vmem_shared>>) target(%dma_start3A_51 : memref<128x32xf32, #tpu.memory_space<vmem>>) offsets(%dma_start3A_54 : memref<128xi32, #tpu.memory_space<vmem>>) semaphore(%arg12 : memref<!tpu.dma_semaphore, #tpu.memory_space<semaphore_mem>>)
    %scan3A = arith.constant 0 : i32
    %scan3A_58 = arith.constant 0 : i32
    %scan3A_59 = arith.constant 160 : i32
    %scan3A_60 = arith.addi %scan3A_58, %scan3A_59 : i32
    %scan3A_61 = arith.constant 1 : i32
    scf.for %scan3A_111 = %scan3A_58 to %scan3A_60 step %scan3A_61  : i32 {
      %rem3A = arith.constant 8 : i32
      %rem3A_112 = arith.remsi %scan3A_111, %rem3A : i32
      %add3A = arith.constant 4 : i32
      %add3A_113 = arith.addi %scan3A_111, %add3A : i32
      %rem3A_114 = arith.constant 8 : i32
      %rem3A_115 = arith.remsi %add3A_113, %rem3A_114 : i32
      %ge3A = arith.constant 4 : i32
      %ge3A_116 = arith.cmpi sge, %scan3A_111, %ge3A : i32
      %convert_element_type3A_117 = arith.extui %ge3A_116 : i1 to i32
      %cond3A_118 = arith.constant 0 : i32
      %cond3A_119 = arith.cmpi ne, %convert_element_type3A_117, %cond3A_118 : i32
      scf.if %cond3A_119 {
        %sub3A = arith.constant 4 : i32
        %sub3A_147 = arith.subi %scan3A_111, %sub3A : i32
        %dma_wait3A_148 = arith.constant 0 : i32
        %dma_wait3A_149 = arith.constant 0 : i32
        %dma_wait3A_150 = tpu.memref_slice %arg9[%rem3A_115, %dma_wait3A_148, %dma_wait3A_149] : memref<8x128x32xf32, #tpu.memory_space<vmem>> -> memref<1x128x32xf32, #tpu.memory_space<vmem>>
        %dma_wait3A_151 = tpu.memref_squeeze %dma_wait3A_150 : memref<1x128x32xf32, #tpu.memory_space<vmem>> -> memref<128x32xf32, #tpu.memory_space<vmem>>
        %dma_wait3A_152 = arith.constant 0 : i32
        %dma_wait3A_153 = tpu.memref_slice %arg8[%sub3A_147, %dma_wait3A_152] : memref<160x128xi32, #tpu.memory_space<vmem>> -> memref<1x128xi32, #tpu.memory_space<vmem>>
        %dma_wait3A_154 = tpu.memref_squeeze %dma_wait3A_153 : memref<1x128xi32, #tpu.memory_space<vmem>> -> memref<128xi32, #tpu.memory_space<vmem>>
        %dma_wait3A_155 = arith.constant 0 : i32
        %dma_wait3A_156 = arith.constant 0 : i32
        %dma_wait3A_157 = tpu.memref_slice %arg10[%dma_wait3A_155, %dma_wait3A_156] : memref<10112x32xf32, #tpu.memory_space<vmem_shared>> -> memref<10112x32xf32, #tpu.memory_space<vmem_shared>>
        tpu.wait_indirect_dma semaphore(%arg13 : memref<!tpu.dma_semaphore, #tpu.memory_space<semaphore_mem>>) src(%dma_wait3A_151 : memref<128x32xf32, #tpu.memory_space<vmem>>) dst(%dma_wait3A_157 : memref<10112x32xf32, #tpu.memory_space<vmem_shared>>)
      } else {
      }
      %add3A_120 = arith.constant 4 : i32
      %add3A_121 = arith.addi %scan3A_111, %add3A_120 : i32
      %lt3A_122 = arith.constant 160 : i32
      %lt3A_123 = arith.cmpi slt, %add3A_121, %lt3A_122 : i32
      %convert_element_type3A_124 = arith.extui %lt3A_123 : i1 to i32
      %cond3A_125 = arith.constant 0 : i32
      %cond3A_126 = arith.cmpi ne, %convert_element_type3A_124, %cond3A_125 : i32
      scf.if %cond3A_126 {
        %add3A_147 = arith.constant 4 : i32
        %add3A_148 = arith.addi %scan3A_111, %add3A_147 : i32
        %dma_start3A_149 = arith.constant 0 : i32
        %dma_start3A_150 = arith.constant 0 : i32
        %dma_start3A_151 = tpu.memref_slice %arg9[%rem3A_115, %dma_start3A_149, %dma_start3A_150] : memref<8x128x32xf32, #tpu.memory_space<vmem>> -> memref<1x128x32xf32, #tpu.memory_space<vmem>>
        %dma_start3A_152 = tpu.memref_squeeze %dma_start3A_151 : memref<1x128x32xf32, #tpu.memory_space<vmem>> -> memref<128x32xf32, #tpu.memory_space<vmem>>
        %dma_start3A_153 = arith.constant 0 : i32
        %dma_start3A_154 = tpu.memref_slice %arg7[%add3A_148, %dma_start3A_153] : memref<160x128xi32, #tpu.memory_space<vmem>> -> memref<1x128xi32, #tpu.memory_space<vmem>>
        %dma_start3A_155 = tpu.memref_squeeze %dma_start3A_154 : memref<1x128xi32, #tpu.memory_space<vmem>> -> memref<128xi32, #tpu.memory_space<vmem>>
        %dma_start3A_156 = arith.constant 0 : i32
        %dma_start3A_157 = arith.constant 0 : i32
        %dma_start3A_158 = tpu.memref_slice %arg11[%dma_start3A_156, %dma_start3A_157] : memref<10000x32xf32, #tpu.memory_space<vmem_shared>> -> memref<10000x32xf32, #tpu.memory_space<vmem_shared>>
        tpu.enqueue_indirect_dma source(%dma_start3A_158 : memref<10000x32xf32, #tpu.memory_space<vmem_shared>>) target(%dma_start3A_152 : memref<128x32xf32, #tpu.memory_space<vmem>>) offsets(%dma_start3A_155 : memref<128xi32, #tpu.memory_space<vmem>>) semaphore(%arg12 : memref<!tpu.dma_semaphore, #tpu.memory_space<semaphore_mem>>)
      } else {
      }
      %dma_wait3A_127 = arith.constant 0 : i32
      %dma_wait3A_128 = arith.constant 0 : i32
      %dma_wait3A_129 = tpu.memref_slice %arg9[%rem3A_112, %dma_wait3A_127, %dma_wait3A_128] : memref<8x128x32xf32, #tpu.memory_space<vmem>> -> memref<1x128x32xf32, #tpu.memory_space<vmem>>
      %dma_wait3A_130 = tpu.memref_squeeze %dma_wait3A_129 : memref<1x128x32xf32, #tpu.memory_space<vmem>> -> memref<128x32xf32, #tpu.memory_space<vmem>>
      %dma_wait3A_131 = arith.constant 0 : i32
      %dma_wait3A_132 = tpu.memref_slice %arg7[%scan3A_111, %dma_wait3A_131] : memref<160x128xi32, #tpu.memory_space<vmem>> -> memref<1x128xi32, #tpu.memory_space<vmem>>
      %dma_wait3A_133 = tpu.memref_squeeze %dma_wait3A_132 : memref<1x128xi32, #tpu.memory_space<vmem>> -> memref<128xi32, #tpu.memory_space<vmem>>
      %dma_wait3A_134 = arith.constant 0 : i32
      %dma_wait3A_135 = arith.constant 0 : i32
      %dma_wait3A_136 = tpu.memref_slice %arg11[%dma_wait3A_134, %dma_wait3A_135] : memref<10000x32xf32, #tpu.memory_space<vmem_shared>> -> memref<10000x32xf32, #tpu.memory_space<vmem_shared>>
      tpu.wait_indirect_dma semaphore(%arg12 : memref<!tpu.dma_semaphore, #tpu.memory_space<semaphore_mem>>) src(%dma_wait3A_136 : memref<10000x32xf32, #tpu.memory_space<vmem_shared>>) dst(%dma_wait3A_130 : memref<128x32xf32, #tpu.memory_space<vmem>>)
      %dma_start3A_137 = arith.constant 0 : i32
      %dma_start3A_138 = arith.constant 0 : i32
      %dma_start3A_139 = tpu.memref_slice %arg9[%rem3A_112, %dma_start3A_137, %dma_start3A_138] : memref<8x128x32xf32, #tpu.memory_space<vmem>> -> memref<1x128x32xf32, #tpu.memory_space<vmem>>
      %dma_start3A_140 = tpu.memref_squeeze %dma_start3A_139 : memref<1x128x32xf32, #tpu.memory_space<vmem>> -> memref<128x32xf32, #tpu.memory_space<vmem>>
      %dma_start3A_141 = arith.constant 0 : i32
      %dma_start3A_142 = tpu.memref_slice %arg8[%scan3A_111, %dma_start3A_141] : memref<160x128xi32, #tpu.memory_space<vmem>> -> memref<1x128xi32, #tpu.memory_space<vmem>>
      %dma_start3A_143 = tpu.memref_squeeze %dma_start3A_142 : memref<1x128xi32, #tpu.memory_space<vmem>> -> memref<128xi32, #tpu.memory_space<vmem>>
      %dma_start3A_144 = arith.constant 0 : i32
      %dma_start3A_145 = arith.constant 0 : i32
      %dma_start3A_146 = tpu.memref_slice %arg10[%dma_start3A_144, %dma_start3A_145] : memref<10112x32xf32, #tpu.memory_space<vmem_shared>> -> memref<10112x32xf32, #tpu.memory_space<vmem_shared>>
      tpu.enqueue_indirect_dma source(%dma_start3A_140 : memref<128x32xf32, #tpu.memory_space<vmem>>) target(%dma_start3A_146 : memref<10112x32xf32, #tpu.memory_space<vmem_shared>>) offsets(%dma_start3A_143 : memref<128xi32, #tpu.memory_space<vmem>>) semaphore(%arg13 : memref<!tpu.dma_semaphore, #tpu.memory_space<semaphore_mem>>) {add = true}
    }
    %scan3A_62 = arith.constant 160 : i32
    %dma_wait3A = arith.constant 4 : i32
    %dma_wait3A_63 = arith.constant 156 : i32
    %dma_wait3A_64 = arith.constant 0 : i32
    %dma_wait3A_65 = arith.constant 0 : i32
    %dma_wait3A_66 = tpu.memref_slice %arg9[%dma_wait3A, %dma_wait3A_64, %dma_wait3A_65] : memref<8x128x32xf32, #tpu.memory_space<vmem>> -> memref<1x128x32xf32, #tpu.memory_space<vmem>>
    %dma_wait3A_67 = tpu.memref_squeeze %dma_wait3A_66 : memref<1x128x32xf32, #tpu.memory_space<vmem>> -> memref<128x32xf32, #tpu.memory_space<vmem>>
    %dma_wait3A_68 = arith.constant 0 : i32
    %dma_wait3A_69 = tpu.memref_slice %arg8[%dma_wait3A_63, %dma_wait3A_68] : memref<160x128xi32, #tpu.memory_space<vmem>> -> memref<1x128xi32, #tpu.memory_space<vmem>>
    %dma_wait3A_70 = tpu.memref_squeeze %dma_wait3A_69 : memref<1x128xi32, #tpu.memory_space<vmem>> -> memref<128xi32, #tpu.memory_space<vmem>>
    %dma_wait3A_71 = arith.constant 0 : i32
    %dma_wait3A_72 = arith.constant 0 : i32
    %dma_wait3A_73 = tpu.memref_slice %arg10[%dma_wait3A_71, %dma_wait3A_72] : memref<10112x32xf32, #tpu.memory_space<vmem_shared>> -> memref<10112x32xf32, #tpu.memory_space<vmem_shared>>
    tpu.wait_indirect_dma semaphore(%arg13 : memref<!tpu.dma_semaphore, #tpu.memory_space<semaphore_mem>>) src(%dma_wait3A_67 : memref<128x32xf32, #tpu.memory_space<vmem>>) dst(%dma_wait3A_73 : memref<10112x32xf32, #tpu.memory_space<vmem_shared>>)
    %dma_wait3A_74 = arith.constant 5 : i32
    %dma_wait3A_75 = arith.constant 157 : i32
    %dma_wait3A_76 = arith.constant 0 : i32
    %dma_wait3A_77 = arith.constant 0 : i32
    %dma_wait3A_78 = tpu.memref_slice %arg9[%dma_wait3A_74, %dma_wait3A_76, %dma_wait3A_77] : memref<8x128x32xf32, #tpu.memory_space<vmem>> -> memref<1x128x32xf32, #tpu.memory_space<vmem>>
    %dma_wait3A_79 = tpu.memref_squeeze %dma_wait3A_78 : memref<1x128x32xf32, #tpu.memory_space<vmem>> -> memref<128x32xf32, #tpu.memory_space<vmem>>
    %dma_wait3A_80 = arith.constant 0 : i32
    %dma_wait3A_81 = tpu.memref_slice %arg8[%dma_wait3A_75, %dma_wait3A_80] : memref<160x128xi32, #tpu.memory_space<vmem>> -> memref<1x128xi32, #tpu.memory_space<vmem>>
    %dma_wait3A_82 = tpu.memref_squeeze %dma_wait3A_81 : memref<1x128xi32, #tpu.memory_space<vmem>> -> memref<128xi32, #tpu.memory_space<vmem>>
    %dma_wait3A_83 = arith.constant 0 : i32
    %dma_wait3A_84 = arith.constant 0 : i32
    %dma_wait3A_85 = tpu.memref_slice %arg10[%dma_wait3A_83, %dma_wait3A_84] : memref<10112x32xf32, #tpu.memory_space<vmem_shared>> -> memref<10112x32xf32, #tpu.memory_space<vmem_shared>>
    tpu.wait_indirect_dma semaphore(%arg13 : memref<!tpu.dma_semaphore, #tpu.memory_space<semaphore_mem>>) src(%dma_wait3A_79 : memref<128x32xf32, #tpu.memory_space<vmem>>) dst(%dma_wait3A_85 : memref<10112x32xf32, #tpu.memory_space<vmem_shared>>)
    %dma_wait3A_86 = arith.constant 6 : i32
    %dma_wait3A_87 = arith.constant 158 : i32
    %dma_wait3A_88 = arith.constant 0 : i32
    %dma_wait3A_89 = arith.constant 0 : i32
    %dma_wait3A_90 = tpu.memref_slice %arg9[%dma_wait3A_86, %dma_wait3A_88, %dma_wait3A_89] : memref<8x128x32xf32, #tpu.memory_space<vmem>> -> memref<1x128x32xf32, #tpu.memory_space<vmem>>
    %dma_wait3A_91 = tpu.memref_squeeze %dma_wait3A_90 : memref<1x128x32xf32, #tpu.memory_space<vmem>> -> memref<128x32xf32, #tpu.memory_space<vmem>>
    %dma_wait3A_92 = arith.constant 0 : i32
    %dma_wait3A_93 = tpu.memref_slice %arg8[%dma_wait3A_87, %dma_wait3A_92] : memref<160x128xi32, #tpu.memory_space<vmem>> -> memref<1x128xi32, #tpu.memory_space<vmem>>
    %dma_wait3A_94 = tpu.memref_squeeze %dma_wait3A_93 : memref<1x128xi32, #tpu.memory_space<vmem>> -> memref<128xi32, #tpu.memory_space<vmem>>
    %dma_wait3A_95 = arith.constant 0 : i32
    %dma_wait3A_96 = arith.constant 0 : i32
    %dma_wait3A_97 = tpu.memref_slice %arg10[%dma_wait3A_95, %dma_wait3A_96] : memref<10112x32xf32, #tpu.memory_space<vmem_shared>> -> memref<10112x32xf32, #tpu.memory_space<vmem_shared>>
    tpu.wait_indirect_dma semaphore(%arg13 : memref<!tpu.dma_semaphore, #tpu.memory_space<semaphore_mem>>) src(%dma_wait3A_91 : memref<128x32xf32, #tpu.memory_space<vmem>>) dst(%dma_wait3A_97 : memref<10112x32xf32, #tpu.memory_space<vmem_shared>>)
    %dma_wait3A_98 = arith.constant 7 : i32
    %dma_wait3A_99 = arith.constant 159 : i32
    %dma_wait3A_100 = arith.constant 0 : i32
    %dma_wait3A_101 = arith.constant 0 : i32
    %dma_wait3A_102 = tpu.memref_slice %arg9[%dma_wait3A_98, %dma_wait3A_100, %dma_wait3A_101] : memref<8x128x32xf32, #tpu.memory_space<vmem>> -> memref<1x128x32xf32, #tpu.memory_space<vmem>>
    %dma_wait3A_103 = tpu.memref_squeeze %dma_wait3A_102 : memref<1x128x32xf32, #tpu.memory_space<vmem>> -> memref<128x32xf32, #tpu.memory_space<vmem>>
    %dma_wait3A_104 = arith.constant 0 : i32
    %dma_wait3A_105 = tpu.memref_slice %arg8[%dma_wait3A_99, %dma_wait3A_104] : memref<160x128xi32, #tpu.memory_space<vmem>> -> memref<1x128xi32, #tpu.memory_space<vmem>>
    %dma_wait3A_106 = tpu.memref_squeeze %dma_wait3A_105 : memref<1x128xi32, #tpu.memory_space<vmem>> -> memref<128xi32, #tpu.memory_space<vmem>>
    %dma_wait3A_107 = arith.constant 0 : i32
    %dma_wait3A_108 = arith.constant 0 : i32
    %dma_wait3A_109 = tpu.memref_slice %arg10[%dma_wait3A_107, %dma_wait3A_108] : memref<10112x32xf32, #tpu.memory_space<vmem_shared>> -> memref<10112x32xf32, #tpu.memory_space<vmem_shared>>
    tpu.wait_indirect_dma semaphore(%arg13 : memref<!tpu.dma_semaphore, #tpu.memory_space<semaphore_mem>>) src(%dma_wait3A_103 : memref<128x32xf32, #tpu.memory_space<vmem>>) dst(%dma_wait3A_109 : memref<10112x32xf32, #tpu.memory_space<vmem_shared>>)
    %barrier3A_110 = arith.constant 0 : index
    tpu.barrier barrier_id(%barrier3A_110)
    "tpu.region"() ({
      %run_scoped3A = tpu.sem_alloc : memref<!tpu.dma_semaphore, #tpu.memory_space<semaphore_mem>>
      %dma_start3A_111 = arith.constant 0 : i32
      %dma_start3A_112 = tpu.memref_slice %arg6[%arg0, %mul3A_0, %dma_start3A_111] : memref<2x10112x32xf32, #tpu.memory_space<hbm>> -> memref<1x632x32xf32, #tpu.memory_space<hbm>>
      %dma_start3A_113 = tpu.memref_squeeze %dma_start3A_112 : memref<1x632x32xf32, #tpu.memory_space<hbm>> -> memref<632x32xf32, #tpu.memory_space<hbm>>
      %dma_start3A_114 = arith.constant 0 : i32
      %dma_start3A_115 = tpu.memref_slice %arg10[%mul3A_0, %dma_start3A_114] : memref<10112x32xf32, #tpu.memory_space<vmem_shared>> -> memref<632x32xf32, #tpu.memory_space<vmem_shared>>
      tpu.enqueue_dma source(%dma_start3A_115 : memref<632x32xf32, #tpu.memory_space<vmem_shared>>) target(%dma_start3A_113 : memref<632x32xf32, #tpu.memory_space<hbm>>) target_semaphore(%run_scoped3A : memref<!tpu.dma_semaphore, #tpu.memory_space<semaphore_mem>>)
      %dma_wait3A_116 = arith.constant 0 : i32
      %dma_wait3A_117 = tpu.memref_slice %arg6[%arg0, %mul3A_0, %dma_wait3A_116] : memref<2x10112x32xf32, #tpu.memory_space<hbm>> -> memref<1x632x32xf32, #tpu.memory_space<hbm>>
      %dma_wait3A_118 = tpu.memref_squeeze %dma_wait3A_117 : memref<1x632x32xf32, #tpu.memory_space<hbm>> -> memref<632x32xf32, #tpu.memory_space<hbm>>
      %dma_wait3A_119 = arith.constant 0 : i32
      %dma_wait3A_120 = tpu.memref_slice %arg10[%mul3A_0, %dma_wait3A_119] : memref<10112x32xf32, #tpu.memory_space<vmem_shared>> -> memref<632x32xf32, #tpu.memory_space<vmem_shared>>
      tpu.wait_dma2 semaphore(%run_scoped3A : memref<!tpu.dma_semaphore, #tpu.memory_space<semaphore_mem>>) src(%dma_wait3A_120 : memref<632x32xf32, #tpu.memory_space<vmem_shared>>) dst(%dma_wait3A_118 : memref<632x32xf32, #tpu.memory_space<hbm>>)
      tpu.yield
    }) : () -> ()
    return
  }
}

module attributes {stable_mosaic.version = 14 : i64} {
  func.func @_mm_body(%arg0: i32, %arg1: memref<10000x128xf32, #tpu.memory_space<vmem>>, %arg2: memref<128x64xf32, #tpu.memory_space<vmem>>, %arg3: memref<2x10000x32xf32, #tpu.memory_space<vmem>>) attributes {dimension_semantics = [#tpu.dimension_semantics<arbitrary>], iteration_bounds = array<i64: 1>, scalar_prefetch = 0 : i64, scratch_operands = 0 : i64, tpu.core_type = #tpu.core_type<tc>, window_params = [{transform_indices = @transform_0, window_bounds = array<i64: 10000, 128>}, {pipeline_mode = #tpu.pipeline_mode<synchronous>, transform_indices = @transform_1, window_bounds = array<i64: 128, 64>}, {transform_indices = @transform_2, window_bounds = array<i64: 2, 10000, 32>}]} {
    %get3A = arith.constant 0 : index
    %get3A_0 = arith.constant 0 : index
    %get3A_1 = vector.load %arg1[%get3A, %get3A_0] : memref<10000x128xf32, #tpu.memory_space<vmem>>, vector<10000x128xf32>
    %get3A_2 = arith.constant 0 : index
    %get3A_3 = arith.constant 0 : index
    %get3A_4 = vector.load %arg2[%get3A_2, %get3A_3] : memref<128x64xf32, #tpu.memory_space<vmem>>, vector<128x64xf32>
    %dot_general3A = arith.constant dense<0.000000e+00> : vector<10000x64xf32>
    %dot_general3A_5 = tpu.matmul %get3A_1, %get3A_4, %dot_general3A {dimension_numbers = #tpu.dot_dimension_numbers<[1], [0], [0], [1], [0, 0, 1, 1], [], []>, transpose_lhs_hint = false} : vector<10000x128xf32>, vector<128x64xf32>, vector<10000x64xf32> -> vector<10000x64xf32>
    %slice3A = vector.extract_strided_slice %dot_general3A_5 {offsets = [0, 0], sizes = [10000, 32], strides = [1, 1]} : vector<10000x64xf32> to vector<10000x32xf32>
    %swap3A = arith.constant 0 : index
    %swap3A_6 = arith.constant 0 : index
    %swap3A_7 = arith.constant 0 : index
    %swap3A_8 = vector.load %arg3[%swap3A, %swap3A_6, %swap3A_7] : memref<2x10000x32xf32, #tpu.memory_space<vmem>>, vector<1x10000x32xf32>
    %swap3A_9 = vector.shape_cast %swap3A_8 : vector<1x10000x32xf32> to vector<10000x32xf32>
    %swap3A_10 = vector.shape_cast %slice3A : vector<10000x32xf32> to vector<1x10000x32xf32>
    tpu.vector_store %arg3[%swap3A, %swap3A_6, %swap3A_7], %swap3A_10 {strides = array<i32>} : memref<2x10000x32xf32, #tpu.memory_space<vmem>>, vector<1x10000x32xf32>,
    %slice3A_11 = vector.extract_strided_slice %dot_general3A_5 {offsets = [0, 32], sizes = [10000, 32], strides = [1, 1]} : vector<10000x64xf32> to vector<10000x32xf32>
    %swap3A_12 = arith.constant 1 : index
    %swap3A_13 = arith.constant 0 : index
    %swap3A_14 = arith.constant 0 : index
    %swap3A_15 = vector.load %arg3[%swap3A_12, %swap3A_13, %swap3A_14] : memref<2x10000x32xf32, #tpu.memory_space<vmem>>, vector<1x10000x32xf32>
    %swap3A_16 = vector.shape_cast %swap3A_15 : vector<1x10000x32xf32> to vector<10000x32xf32>
    %swap3A_17 = vector.shape_cast %slice3A_11 : vector<10000x32xf32> to vector<1x10000x32xf32>
    tpu.vector_store %arg3[%swap3A_12, %swap3A_13, %swap3A_14], %swap3A_17 {strides = array<i32>} : memref<2x10000x32xf32, #tpu.memory_space<vmem>>, vector<1x10000x32xf32>,
    return
  }
  func.func @transform_0(%arg0: i32) -> (i32, i32) {
    %c0_i32 = arith.constant 0 : i32
    %c0_i32_0 = arith.constant 0 : i32
    return %arg0, %c0_i32 : i32, i32
  }
  func.func @transform_1(%arg0: i32) -> (i32, i32) {
    %c0_i32 = arith.constant 0 : i32
    %c0_i32_0 = arith.constant 0 : i32
    %c0_i32_1 = arith.constant 0 : i32
    return %c0_i32, %c0_i32_0 : i32, i32
  }
  func.func @transform_2(%arg0: i32) -> (i32, i32, i32) {
    %c0_i32 = arith.constant 0 : i32
    %c0_i32_0 = arith.constant 0 : i32
    %c0_i32_1 = arith.constant 0 : i32
    return %c0_i32, %arg0, %c0_i32_0 : i32, i32, i32
  }
}

module attributes {stable_mosaic.version = 14 : i64} {
  func.func @_mid_body(%arg0: i32, %arg1: memref<2x10000x32xf32, #tpu.memory_space<vmem>>, %arg2: memref<64x64xf32, #tpu.memory_space<vmem>>, %arg3: memref<2x10000x32xf32, #tpu.memory_space<vmem>>) attributes {dimension_semantics = [#tpu.dimension_semantics<arbitrary>], iteration_bounds = array<i64: 1>, scalar_prefetch = 0 : i64, scratch_operands = 0 : i64, tpu.core_type = #tpu.core_type<tc>, window_params = [{transform_indices = @transform_0, window_bounds = array<i64: 2, 10000, 32>}, {pipeline_mode = #tpu.pipeline_mode<synchronous>, transform_indices = @transform_1, window_bounds = array<i64: 64, 64>}, {transform_indices = @transform_2, window_bounds = array<i64: 2, 10000, 32>}]} {
    %get3A = arith.constant 0 : index
    %get3A_0 = arith.constant 0 : index
    %get3A_1 = arith.constant 0 : index
    %get3A_2 = vector.load %arg1[%get3A, %get3A_0, %get3A_1] : memref<2x10000x32xf32, #tpu.memory_space<vmem>>, vector<1x10000x32xf32>
    %get3A_3 = vector.shape_cast %get3A_2 : vector<1x10000x32xf32> to vector<10000x32xf32>
    %get3A_4 = arith.constant 1 : index
    %get3A_5 = arith.constant 0 : index
    %get3A_6 = arith.constant 0 : index
    %get3A_7 = vector.load %arg1[%get3A_4, %get3A_5, %get3A_6] : memref<2x10000x32xf32, #tpu.memory_space<vmem>>, vector<1x10000x32xf32>
    %get3A_8 = vector.shape_cast %get3A_7 : vector<1x10000x32xf32> to vector<10000x32xf32>
    %concatenate3A = tpu.concatenate %get3A_3, %get3A_8 in 1 : vector<10000x32xf32>, vector<10000x32xf32> -> vector<10000x64xf32>
    %get3A_9 = arith.constant 0 : index
    %get3A_10 = arith.constant 0 : index
    %get3A_11 = vector.load %arg2[%get3A_9, %get3A_10] : memref<64x64xf32, #tpu.memory_space<vmem>>, vector<64x64xf32>
    %dot_general3A = arith.constant dense<0.000000e+00> : vector<10000x64xf32>
    %dot_general3A_12 = tpu.matmul %concatenate3A, %get3A_11, %dot_general3A {dimension_numbers = #tpu.dot_dimension_numbers<[1], [0], [0], [1], [0, 0, 1, 1], [], []>, transpose_lhs_hint = false} : vector<10000x64xf32>, vector<64x64xf32>, vector<10000x64xf32> -> vector<10000x64xf32>
    %slice3A = vector.extract_strided_slice %dot_general3A_12 {offsets = [0, 0], sizes = [10000, 32], strides = [1, 1]} : vector<10000x64xf32> to vector<10000x32xf32>
    %swap3A = arith.constant 0 : index
    %swap3A_13 = arith.constant 0 : index
    %swap3A_14 = arith.constant 0 : index
    %swap3A_15 = vector.load %arg3[%swap3A, %swap3A_13, %swap3A_14] : memref<2x10000x32xf32, #tpu.memory_space<vmem>>, vector<1x10000x32xf32>
    %swap3A_16 = vector.shape_cast %swap3A_15 : vector<1x10000x32xf32> to vector<10000x32xf32>
    %swap3A_17 = vector.shape_cast %slice3A : vector<10000x32xf32> to vector<1x10000x32xf32>
    tpu.vector_store %arg3[%swap3A, %swap3A_13, %swap3A_14], %swap3A_17 {strides = array<i32>} : memref<2x10000x32xf32, #tpu.memory_space<vmem>>, vector<1x10000x32xf32>,
    %slice3A_18 = vector.extract_strided_slice %dot_general3A_12 {offsets = [0, 32], sizes = [10000, 32], strides = [1, 1]} : vector<10000x64xf32> to vector<10000x32xf32>
    %swap3A_19 = arith.constant 1 : index
    %swap3A_20 = arith.constant 0 : index
    %swap3A_21 = arith.constant 0 : index
    %swap3A_22 = vector.load %arg3[%swap3A_19, %swap3A_20, %swap3A_21] : memref<2x10000x32xf32, #tpu.memory_space<vmem>>, vector<1x10000x32xf32>
    %swap3A_23 = vector.shape_cast %swap3A_22 : vector<1x10000x32xf32> to vector<10000x32xf32>
    %swap3A_24 = vector.shape_cast %slice3A_18 : vector<10000x32xf32> to vector<1x10000x32xf32>
    tpu.vector_store %arg3[%swap3A_19, %swap3A_20, %swap3A_21], %swap3A_24 {strides = array<i32>} : memref<2x10000x32xf32, #tpu.memory_space<vmem>>, vector<1x10000x32xf32>,
    return
  }
  func.func @transform_0(%arg0: i32) -> (i32, i32, i32) {
    %c0_i32 = arith.constant 0 : i32
    %c0_i32_0 = arith.constant 0 : i32
    %c0_i32_1 = arith.constant 0 : i32
    return %c0_i32, %arg0, %c0_i32_0 : i32, i32, i32
  }
  func.func @transform_1(%arg0: i32) -> (i32, i32) {
    %c0_i32 = arith.constant 0 : i32
    %c0_i32_0 = arith.constant 0 : i32
    %c0_i32_1 = arith.constant 0 : i32
    return %c0_i32, %c0_i32_0 : i32, i32
  }
  func.func @transform_2(%arg0: i32) -> (i32, i32, i32) {
    %c0_i32 = arith.constant 0 : i32
    %c0_i32_0 = arith.constant 0 : i32
    %c0_i32_1 = arith.constant 0 : i32
    return %c0_i32, %arg0, %c0_i32_0 : i32, i32, i32
  }
}

module attributes {stable_mosaic.version = 14 : i64} {
  func.func @_final_body(%arg0: i32, %arg1: memref<2x10000x32xf32, #tpu.memory_space<vmem>>, %arg2: memref<10000x32xf32, #tpu.memory_space<vmem>>, %arg3: memref<10000x32xf32, #tpu.memory_space<vmem>>, %arg4: memref<10000x32xf32, #tpu.memory_space<vmem>>, %arg5: memref<10000x32xf32, #tpu.memory_space<vmem>>) attributes {dimension_semantics = [#tpu.dimension_semantics<arbitrary>], iteration_bounds = array<i64: 1>, scalar_prefetch = 0 : i64, scratch_operands = 0 : i64, tpu.core_type = #tpu.core_type<tc>, window_params = [{transform_indices = @transform_0, window_bounds = array<i64: 2, 10000, 32>}, {transform_indices = @transform_1, window_bounds = array<i64: 10000, 32>}, {transform_indices = @transform_2, window_bounds = array<i64: 10000, 32>}, {transform_indices = @transform_3, window_bounds = array<i64: 10000, 32>}, {transform_indices = @transform_4, window_bounds = array<i64: 10000, 32>}]} {
    %get3A = arith.constant 0 : index
    %get3A_0 = arith.constant 0 : index
    %get3A_1 = arith.constant 0 : index
    %get3A_2 = vector.load %arg1[%get3A, %get3A_0, %get3A_1] : memref<2x10000x32xf32, #tpu.memory_space<vmem>>, vector<1x10000x32xf32>
    %get3A_3 = vector.shape_cast %get3A_2 : vector<1x10000x32xf32> to vector<10000x32xf32>
    %get3A_4 = arith.constant 1 : index
    %get3A_5 = arith.constant 0 : index
    %get3A_6 = arith.constant 0 : index
    %get3A_7 = vector.load %arg1[%get3A_4, %get3A_5, %get3A_6] : memref<2x10000x32xf32, #tpu.memory_space<vmem>>, vector<1x10000x32xf32>
    %get3A_8 = vector.shape_cast %get3A_7 : vector<1x10000x32xf32> to vector<10000x32xf32>
    %swap3A = arith.constant 0 : index
    %swap3A_9 = arith.constant 0 : index
    %swap3A_10 = vector.load %arg4[%swap3A, %swap3A_9] : memref<10000x32xf32, #tpu.memory_space<vmem>>, vector<10000x32xf32>
    tpu.vector_store %arg4[%swap3A, %swap3A_9], %get3A_3 {strides = array<i32>} : memref<10000x32xf32, #tpu.memory_space<vmem>>, vector<10000x32xf32>,
    %swap3A_11 = arith.constant 0 : index
    %swap3A_12 = arith.constant 0 : index
    %swap3A_13 = vector.load %arg5[%swap3A_11, %swap3A_12] : memref<10000x32xf32, #tpu.memory_space<vmem>>, vector<10000x32xf32>
    tpu.vector_store %arg5[%swap3A_11, %swap3A_12], %get3A_8 {strides = array<i32>} : memref<10000x32xf32, #tpu.memory_space<vmem>>, vector<10000x32xf32>,
    %get3A_14 = arith.constant 0 : index
    %get3A_15 = arith.constant 0 : index
    %get3A_16 = vector.load %arg2[%get3A_14, %get3A_15] : memref<10000x32xf32, #tpu.memory_space<vmem>>, vector<10000x32xf32>
    %exp3A = math.exp %get3A_8 : vector<10000x32xf32>
    %mul3A = arith.mulf %get3A_16, %exp3A : vector<10000x32xf32>
    %add3A = arith.addf %mul3A, %get3A_3 : vector<10000x32xf32>
    %swap3A_17 = arith.constant 0 : index
    %swap3A_18 = arith.constant 0 : index
    %swap3A_19 = vector.load %arg3[%swap3A_17, %swap3A_18] : memref<10000x32xf32, #tpu.memory_space<vmem>>, vector<10000x32xf32>
    tpu.vector_store %arg3[%swap3A_17, %swap3A_18], %add3A {strides = array<i32>} : memref<10000x32xf32, #tpu.memory_space<vmem>>, vector<10000x32xf32>,
    return
  }
  func.func @transform_0(%arg0: i32) -> (i32, i32, i32) {
    %c0_i32 = arith.constant 0 : i32
    %c0_i32_0 = arith.constant 0 : i32
    %c0_i32_1 = arith.constant 0 : i32
    return %c0_i32, %arg0, %c0_i32_0 : i32, i32, i32
  }
  func.func @transform_1(%arg0: i32) -> (i32, i32) {
    %c0_i32 = arith.constant 0 : i32
    %c0_i32_0 = arith.constant 0 : i32
    return %arg0, %c0_i32 : i32, i32
  }
  func.func @transform_2(%arg0: i32) -> (i32, i32) {
    %c0_i32 = arith.constant 0 : i32
    %c0_i32_0 = arith.constant 0 : i32
    return %arg0, %c0_i32 : i32, i32
  }
  func.func @transform_3(%arg0: i32) -> (i32, i32) {
    %c0_i32 = arith.constant 0 : i32
    %c0_i32_0 = arith.constant 0 : i32
    return %arg0, %c0_i32 : i32, i32
  }
  func.func @transform_4(%arg0: i32) -> (i32, i32) {
    %c0_i32 = arith.constant 0 : i32
    %c0_i32_0 = arith.constant 0 : i32
    return %arg0, %c0_i32 : i32, i32
  }
}

</mosaic_0001>

<sc_bundles>
// kernel: kernel.10.cloned.1.call-start
scs
__scs_entry_jumppad:
0x0: {  	(pc) =	sbr.rel $0x88, $3  }
0x1: {  	(tag) =	ssettag $0x0;
	lr =	simm.s32 $0x1  }
0x2: {  	[smem:$0x3F9B] =	sst lr;
	_ =	strace $0xD0000000  }
0x3: {  	_ = 	snop  }
0x4: {  	_ = 	snop  }
0x5: {  	_ = 	snop  }
0x6: {  	_ = 	snop  }
0x7: {  	_ = 	snop  }
__scs_overlays_trampoline_lowered:
0x8: {  	[smem:$0x3FAA] =	sst s0  }
0x9: {  	[smem:$0x3FAB] =	sst s1  }
0xa: {  	[smem:$0x3FAC] =	sst s2  }
0xb: {  	[smem:$0x3FAD] =	sst s3  }
0xc: {  	[smem:$0x3FAE] =	sst s4  }
0xd: {  	[smem:$0x3FAF] =	sst s5  }
0xe: {  	[smem:$0x3FB0] =	sst s6  }
0xf: {  	[smem:$0x3FB1] =	sst s7  }
0x10: {  	[smem:$0x3FB2] =	sst s8  }
0x11: {  	[smem:$0x3FB3] =	sst s9;
	s0 =	simm.s32 @!p0 $0x0  }
0x12: {  	s1 =	sld [smem:$0x3F99];
	s0 =	simm.s32 @p0 $0x1  }
0x13: {  	[smem:$0x3FB4] =	sst s0;
	s0 =	simm.s32 @!p1 $0x0  }
0x14: {  	s2 =	sld [smem:$0x3F98];
	s0 =	simm.s32 @p1 $0x1  }
0x15: {  	[smem:$0x3FB5] =	sst s0;
	s0 =	simm.s32 @!p2 $0x0  }
0x16: {  	s3 =	sld [smem:$0x3FDB];
	s0 =	simm.s32 @p2 $0x1  }
0x17: {  	s4 =	simm.s32 $0x1BF5;
	[smem:$0x3FB7] =	sst s0  }
0x18: {  	s0 =	sld [smem:$0x3F9A];
	_ =	swait.ge [sflag:s4], $0x0  }
0x19: {  	s7 =	sld [smem:$0x3F9B]  }
0x1a: {  	s8 =	sadd.s32 $0xFFFFE003, lr  }
0x1b: {  	s9 =	sadd.s32 $0xFFFFFEF7, lr;
	s5 =	simm.s32 $0xFFFFFFFF;
	p2 =	slt.u32 s8, $0xFFFFF086  }
0x1c: {  	p1 =	slt.u32 s9, $0xF7A;
	s5 =	simm.s32 @!p2 $0x0  }
0x1d: {  	s5 =	simm.s32 @p1 $0x1;
	p0 =	seq.s32 s7, s2  }
0x1e: {  	s7 =	smul.u32 @!p0 $0xF7A, s2;
	p2 =	seq.s32 @!p0 s5, $0x0  }
0x1f: {  	s9 =	smul.u32 $0xF7A, s1;
	s8 =	simm.s32 @!p0 $0x1BF5;
	p2 =	por !p2, p0  }
0x20: {  	[sflag:s8] =	ssyncset.s32 @!p0 $0xFFFFF086;
	s6 =	sadd.s32 @!p0 s3, s7;
	s7 =	simm.s32 @!p0 $0x108  }
0x21: {  	s3 =	sadd.s32 s3, s9;
	s6 =	sadd.s32 @!p0 $0x88, s6;
	s7 =	simm.s32 @p2 $0x1082  }
0x22: {  	[simem:s7], [sflag:s8] =	dma.local @!p0 [hbm:s6], $0xF7A  }
0x23: {  	s9 =	sor.u32 $0xD0000000, s2;
	s6 =	simm.s32 $0x108;
	_ =	swait.ge @!p0 [sflag:s8], $0x0  }
0x24: {  	s3 =	sadd.s32 $0x88, s3;
	s6 =	simm.s32 @!p1 $0x1082;
	[sflag:s4] =	ssyncset.s32 $0xFFFFF086  }
0x25: {  	[simem:s6], [sflag:s4] =	dma.local [hbm:s3], $0xF7A  }
0x26: {  	[smem:$0x3F9B] =	sst s1;
	(tag) =	ssettag s2;
	_ =	strace s9  }
0x27: {  	s1 =	sld [smem:$0x3FAB]  }
0x28: {  	s2 =	sld [smem:$0x3FAC]  }
0x29: {  	s4 =	sld [smem:$0x3FAE]  }
0x2a: {  	p0 =	seq.s32 s5, $0x0;
	s5 =	sld [smem:$0x3FAF]  }
0x2b: {  	s6 =	sld [smem:$0x3FB0]  }
0x2c: {  	s7 =	sld [smem:$0x3FB1]  }
0x2d: {  	s3 =	simm.s32 $0x108;
	s8 =	sld [smem:$0x3FB2]  }
0x2e: {  	s3 =	simm.s32 @!p0 $0x1082;
	s9 =	sld [smem:$0x3FB3]  }
0x2f: {  	lr =	sadd.s32 s0, s3;
	s0 =	sld [smem:$0x3FAA]  }
0x30: {  	s3 =	sld [smem:$0x3FAD]  }
0x31: {  	[smem:$0x3FB6] =	sst s10  }
0x32: {  	s10 =	sld [smem:$0x3FB4];
	_ =	sdelay $0x3  }
0x33: {  	p0 =	seq.s32 s10, $0x1;
	s10 =	sld [smem:$0x3FB6];
	_ =	sdelay $0x3  }
0x34: {  	[smem:$0x3FB6] =	sst s10  }
0x35: {  	s10 =	sld [smem:$0x3FB5];
	_ =	sdelay $0x3  }
0x36: {  	p1 =	seq.s32 s10, $0x1;
	s10 =	sld [smem:$0x3FB6];
	_ =	sdelay $0x3  }
0x37: {  	[smem:$0x3FB6] =	sst s10  }
0x38: {  	s10 =	sld [smem:$0x3FB7]  }
0x39: {  	_ = 	snop;
	(pc) =	sbr.ind lr, $3  }
0x3a: {  	_ = 	snop  }
0x3b: {  	_ = 	snop  }
0x3c: {  	p2 =	seq.s32 s10, $0x1;
	s10 =	sld [smem:$0x3FB6]  }
0x3d: {  	_ =	shalt  }
0x3e: {  	_ =	shalt  }
0x3f: {  	_ =	shalt  }
0x40: {  	_ =	shalt  }
0x41: {  	_ =	shalt  }
0x42: {  	_ =	shalt  }
0x43: {  	_ =	shalt  }
0x44: {  	_ =	shalt  }
0x45: {  	_ =	shalt  }
0x46: {  	_ =	shalt  }
0x47: {  	_ =	shalt  }
0x48: {  	_ =	shalt  }
0x49: {  	_ =	shalt  }
0x4a: {  	_ =	shalt  }
0x4b: {  	_ =	shalt  }
0x4c: {  	_ =	shalt  }
0x4d: {  	_ =	shalt  }
0x4e: {  	_ =	shalt  }
0x4f: {  	_ =	shalt  }
0x50: {  	_ =	shalt  }
0x51: {  	_ =	shalt  }
0x52: {  	_ =	shalt  }
0x53: {  	_ =	shalt  }
0x54: {  	_ =	shalt  }
0x55: {  	_ =	shalt  }
0x56: {  	_ =	shalt  }
0x57: {  	_ =	shalt  }
0x58: {  	_ =	shalt  }
0x59: {  	_ =	shalt  }
0x5a: {  	_ =	shalt  }
0x5b: {  	_ =	shalt  }
0x5c: {  	_ =	shalt  }
0x5d: {  	_ =	shalt  }
0x5e: {  	_ =	shalt  }
0x5f: {  	_ =	shalt  }
0x60: {  	_ =	shalt  }
0x61: {  	_ =	shalt  }
0x62: {  	_ =	shalt  }
0x63: {  	_ =	shalt  }
0x64: {  	_ =	shalt  }
0x65: {  	_ =	shalt  }
0x66: {  	_ =	shalt  }
0x67: {  	_ =	shalt  }
0x68: {  	_ =	shalt  }
0x69: {  	_ =	shalt  }
0x6a: {  	_ =	shalt  }
0x6b: {  	_ =	shalt  }
0x6c: {  	_ =	shalt  }
0x6d: {  	_ =	shalt  }
0x6e: {  	_ =	shalt  }
0x6f: {  	_ =	shalt  }
0x70: {  	_ =	shalt  }
0x71: {  	_ =	shalt  }
0x72: {  	_ =	shalt  }
0x73: {  	_ =	shalt  }
0x74: {  	_ =	shalt  }
0x75: {  	_ =	shalt  }
0x76: {  	_ =	shalt  }
0x77: {  	_ =	shalt  }
0x78: {  	_ =	shalt  }
0x79: {  	_ =	shalt  }
0x7a: {  	_ =	shalt  }
0x7b: {  	_ =	shalt  }
0x7c: {  	_ =	shalt  }
0x7d: {  	_ =	shalt  }
0x7e: {  	_ =	shalt  }
0x7f: {  	_ =	shalt  }
0x80: {  	_ =	shalt  }
0x81: {  	_ =	shalt  }
0x82: {  	_ =	shalt  }
0x83: {  	_ =	shalt  }
0x84: {  	_ =	shalt  }
0x85: {  	_ =	shalt  }
0x86: {  	_ =	shalt  }
0x87: {  	_ =	shalt  }
.Lfunc_end0:
.L_simem_size_0:
called_computation.1_lowered:
.L_overlay_start_0:
0x88: {  	s2 =	sld [smem:$0x3FD9]  }
0x89: {  	s3 =	sld [smem:$0x3FFE];
	_ =	sdelay $0x1  }
0x8a: {  	s1 =	srdreg.scid  }
0x8b: {  	s0 =	sand.u32 $0x1, s1  }
0x8c: {  	s14 =	sshll.u32 s0, $0xA;
	s2 =	sadd.s32 s3, s2  }
0x8d: {  	s2 =	sadd.s32 s2, s14  }
0x8e: {  	[smem:$0x3FC2] =	sst s2  }
0x8f: {  	_ = 	snop  }
0x90: {  	s2 =	sld [smem:$0x3FD0];
	_ =	sdelay $0x2  }
0x91: {  	s15 =	simm.s32 $0xA;
	s4 =	simm.s32 $0x10  }
0x92: {  	[smem:s4], [sflag:s15] =	dma.local [hbm:s2], $0x1  }
0x93: {  	_ =	swait.eq [sflag:s15], $0x1  }
0x94: {  	[sflag:s15] =	ssyncset.done $0x0  }
0x95: {  	[sflag:s15] =	ssyncadd.s32 $0xFFFFFFFF  }
0x96: {  	s16 =	sld [smem:$0x12];
	(tm) =	ssettm $0x1  }
0x97: {  	s17 =	sld [smem:$0x3FFB];
	_ =	sdelay $0x3  }
0x98: {  	_ =	strace s17  }
0x99: {  	s3 =	sld [smem:$0x3FFC];
	_ =	sdelay $0x3  }
0x9a: {  	_ =	strace s3  }
0x9b: {  	s3 =	sld [smem:$0x3FFD];
	_ =	sdelay $0x3  }
0x9c: {  	_ =	strace s3  }
0x9d: {  	_ =	strace $0x8FFFFFFF  }
0x9e: {  	s18 =	sld [smem:$0x3FDB];
	_ =	sdelay $0x1  }
0x9f: {  	s19 =	simm.s32 $_scs_section_size  }
0xa0: {  	s5 =	simm.s32 $_size__tile_overlayer_lowered;
	s6 =	simm.s32 $_tile_overlayer_lowered  }
0xa1: {  	s22 =	simm.s32 $0x1BFF;
	s21 =	sshll.u32 s6, $0x1;
	s3 =	sadd.s32 s19, s18  }
0xa2: {  	s7 =	simm.s32 $0x0;
	s20 =	sshll.u32 s5, $0x1;
	s5 =	sadd.s32 s21, s3  }
0xa3: {  	[timem:s7], [sflag:s22] =	dma.local [hbm:s5], s20  }
0xa4: {  	_ =	swait.ge [sflag:s22], s20  }
0xa5: {  	s4 =	ssub.s32 $0x0, s20;
	[sflag:s22] =	ssyncset.done $0x0  }
0xa6: {  	[sflag:s22] =	ssyncadd.s32 s4;
	_ =	sdelay $0x1  }
0xa7: {  	s23 =	simm.s32 $0x1B8B  }
0xa8: {  	_ =	swait.ge [sflag:s23], $0x1  }
0xa9: {  	[sflag:s23] =	ssyncset.done $0x0  }
0xaa: {  	s25 =	simm.s32 $0x1B8E;
	s24 =	sld [smem:$0x3FFE];
	[sflag:s23] =	ssyncadd.s32 $0xFFFFFFFF  }
0xab: {  	s26 =	simm.s32 $execute0_lowered;
	[smem:$0x3FD2] =	sst s25  }
0xac: {  	s5 =	sshll.u32 s26, $0x1;
	_ =	strace $0x80000049;
	[dreg:$0x1] =	wrdreg $0xFFFFFFFF  }
0xad: {  	s28 =	simm.s32 $_size_execute0_lowered;
	s3 =	sadd.s32 s3, s5;
	[dreg:$0x0] =	wrdreg $0x0  }
0xae: {  	s5 =	sshll.u32 s28, $0x1;
	[dreg:$0x2] =	wrdreg s3  }
0xaf: {  	[dreg:$0x3] =	wrdreg s5  }
0xb0: {  	[dreg:$0x4] =	wrdreg $0xC0  }
0xb1: {  	_ =	task [dreg:s7], $0x5FFFF  }
0xb2: {  	[dreg:$0x1] =	wrdreg $0xFFFFFFFF  }
0xb3: {  	[dreg:$0x0] =	wrdreg $0x60  }
0xb4: {  	[dreg:$0x2] =	wrdreg s24  }
0xb5: {  	[dreg:$0x3] =	wrdreg s16  }
0xb6: {  	[dreg:$0x4] =	wrdreg $0x120000  }
0xb7: {  	[dreg:$0x5] =	wrdreg $0x16F000  }
0xb8: {  	[dreg:$0x6] =	wrdreg $0x9  }
0xb9: {  	_ =	task.clear_ibuf [dreg:s7], $0x7FFFF;
	_ =	strace $0x90000049  }
0xba: {  	s29 =	simm.s32 $0x9;
	_ =	strace $0x8000004B  }
0xbb: {  	_ =	swait.ge [sflag:s29], $0x1  }
0xbc: {  	[sflag:s29] =	ssyncadd.s32 $0xFFFFFFFF  }
0xbd: {  	_ =	strace $0x9000004B  }
0xbe: {  	_ =	sfence  }
0xbf: {  	s30 =	sld [smem:$0x0];
	_ =	sdelay $0x2  }
0xc0: {  	s31 =	sshll.u32 s1, $0xD;
	s1 =	sshrl.u32 s1, $0x2  }
0xc1: {  	s3 =	sand.u32 $0x4000, s31;
	s1 =	sadd.s32 s1, s30  }
0xc2: {  	s0 =	sor.u32 s3, s0;
	s1 =	sshll.u32 s1, $0x11  }
0xc3: {  	s0 =	sor.u32 s1, s0  }
0xc4: {  	s0 =	sadd.s32 $0x8F2B, s0  }
0xc5: {  	[sflag:s0] =	ssyncadd.remote.s32 $0x1  }
0xc6: {  	_ =	sfence.sel $0xFFFF  }
0xc7: {  	[dreg:$0x0] =	wrdreg $0xFFFFFFFF;
	(pc) =	sbr.abs _section_cstart, $3  }
0xc8: {  	[dreg:$0x1] =	wrdreg $0xFFFFFFFF  }
0xc9: {  	_ =	task.clear_ibuf [dreg:s7], $0x2FFFF;
	_ =	strace $0x9FFFFFFF  }
0xca: {  	(tm) =	ssettm $0x7FFFFFFF  }
0xcb: {  	_ =	shalt  }
tec
execute0_lowered:
.L_overlay_start_1:
0x0: {  	(tag) =	ssettag $0x1  }
0x1: {  	s0 =	rddreg [dreg:$0x0]  }
0x2: {  	s1 =	rddreg [dreg:$0x1]  }
0x3: {  	s2 =	rddreg [dreg:$0x2]  }
0x4: {  	s3 =	rddreg [dreg:$0x3]  }
0x5: {  	s17 =	stileid.u32;
	s5 =	srdreg.scid  }
0x6: {  	s4 =	simm.s32 $0x0;
	s18 =	simm.s32 $0x80;
	s19 =	simm.s32 $0xA000  }
0x7: {  	s20 =	simm.s32 $0xB000;
	s22 =	simm.s32 $0xC000;
	s24 =	simm.s32 $0xD000  }
0x8: {  	s28 =	simm.s32 $0x1;
	s29 =	simm.s32 $0x2;
	s30 =	simm.s32 $0x0  }
0x9: {  	s5 =	sand.u32 $0x1, s5;
	s7 =	smul.u32 $0x4F00, s17;
	[smem:$0x7FF] =	sst s4  }
0xa: {  	s6 =	smul.u32 $0xA00, s17;
	s10 =	sadd.s32 $0xA00, s0;
	s26 =	sshll.u32 s17, $0x6  }
0xb: {  	s15 =	sadd.s32 $0x4A100, s3;
	p0 =	seq.s32 s17, $0xF;
	s17 =	simm.s32 $0x5000  }
0xc: {  	s8 =	smul.u32 $0x4F000, s5;
	_ =	strace $0x8000004A;
	s5 =	ssub.s32 $0x2, s5  }
0xd: {  	s15 =	sshrl.u32 @p0 s15, $0x3;
	s11 =	sshrl.u32 s5, $0x1;
	s12 =	sadd.s32 s6, s0  }
0xe: {  	s14 =	sadd.s32 s7, s2;
	s25 =	sshrl.u32 s7, $0x3;
	s6 =	sor.u32 $0x1C03, s26  }
0xf: {  	s16 =	sadd.s32 s7, s3;
	s9 =	sadd.s32 s7, s8;
	s13 =	ssub.s32 s5, s11  }
0x10: {  	s1 =	sadd.s32 s1, s25;
	s31 =	sshrl.u32 s8, $0x3;
	s16 =	sshrl.u32 @!p0 s16, $0x3  }
0x11: {  	s9 =	sshrl.u32 s9, $0x3;
	[dreg:$0x5] =	wrdreg s1;
	s1 =	sadd.s32 s10, s31  }
0x12: {  	s0 =	sadd.s32 s9, s0;
	s7 =	sadd.s32 s10, s9;
	s8 =	sadd.s32 $0x9420, s1  }
0x13: {  	s9 =	sadd.s32 $0x1E600, s12;
	s10 =	sadd.s32 $0x14600, s12;
	s12 =	smax.u32 s13, $0x1  }
0x14: {  	s13 =	sshrl.u32 s14, $0x3;
	s14 =	simm.s32 $0x3;
	s11 =	sadd.s32 $0x28600, s0  }
.LBB2_1:
0x15: {  	s0 =	rddreg [dreg:$0x5]  }
0x16: {  	[spmem:s13], [sflag:s6] =	dma.local [hbm:s0], $0x9E0  }
0x17: {  	_ =	swait.ge [sflag:s14], $0x9E0  }
0x18: {  	[sflag:s14] =	ssyncset.done $0x0  }
0x19: {  	s0 =	simm.s32 @p0 $0x3;
	[sflag:s14] =	ssyncadd.s32 $0xFFFFF620  }
0x1a: {  	[spmem:s15], [sflag:s6] =	dma.local @p0 [hbm:s8], $0x820  }
0x1b: {  	_ =	swait.ge @p0 [sflag:s0], $0x820  }
0x1c: {  	[sflag:s0] =	ssyncset.done @p0 $0x0  }
0x1d: {  	[sflag:s0] =	ssyncadd.s32 @p0 $0xFFFFF7E0;
	s0 =	simm.s32 @!p0 $0x3  }
0x1e: {  	[spmem:s16], [sflag:s6] =	dma.local @!p0 [hbm:s7], $0x9E0  }
0x1f: {  	_ =	swait.ge @!p0 [sflag:s0], $0x9E0  }
0x20: {  	[sflag:s0] =	ssyncset.done @!p0 $0x0  }
0x21: {  	[sflag:s0] =	ssyncadd.s32 @!p0 $0xFFFFF620  }
0x22: {  	[tilespmem:s4], [sflag:$0x3] =	stream.linear.gather [hbm4b:s9+s4], $0x5000, $0x38;
	[tilespmem:$0x1BD20] =	vst v63  }
0x23: {  	_ =	swait.ge [sflag:s14], $0x5000  }
0x24: {  	[sflag:s14] =	ssyncset.done $0x0  }
0x25: {  	[sflag:s14] =	ssyncadd.s32 $0xFFFFB000  }
0x26: {  	[tilespmem:s17], [sflag:$0x3] =	stream.linear.gather [hbm4b:s10+s4], $0x5000, $0x38;
	[tilespmem:$0x1BD20] =	vst v63  }
0x27: {  	_ =	swait.ge [sflag:s14], $0x5000  }
0x28: {  	[sflag:s14] =	ssyncset.done $0x0  }
0x29: {  	[sflag:s14] =	ssyncadd.s32 $0xFFFFB000  }
0x2a: {  	[bflag:$0x0] =	sbarrier.arrive $0xFFFF  }
0x2b: {  	[tilespmem:s19], [sflag:$0x1] =	stream.indirect.gather [spmem:s3], $0x20, s4, s18, $0xb8;
	[tilespmem:$0x1BD20] =	vst v63  }
0x2c: {  	_ = 	snop  }
0x2d: {  	[tilespmem:s20], [sflag:$0x1] =	stream.indirect.gather [spmem:s3], $0x20, s18, s18, $0xb8;
	[tilespmem:$0x1BD20] =	vst v63  }
0x2e: {  	s23 =	simm.s32 $0x100  }
0x2f: {  	[tilespmem:s22], [sflag:$0x1] =	stream.indirect.gather [spmem:s3], $0x20, s23, s18, $0xb8;
	[tilespmem:$0x1BD20] =	vst v63  }
0x30: {  	s25 =	simm.s32 $0x180  }
0x31: {  	[tilespmem:s24], [sflag:$0x1] =	stream.indirect.gather [spmem:s3], $0x20, s25, s18, $0xb8;
	[tilespmem:$0x1BD20] =	vst v63  }
0x32: {  	s26 =	simm.s32 $0x200;
	s1 =	simm.s32 $0xE000  }
0x33: {  	[tilespmem:s1], [sflag:$0x1] =	stream.indirect.gather [spmem:s3], $0x20, s26, s18, $0xb8;
	[tilespmem:$0x1BD20] =	vst v63  }
0x34: {  	_ =	swait.ge [sflag:s28], $0x1000  }
0x35: {  	[sflag:s28] =	ssyncset.done $0x0  }
0x36: {  	[sflag:s28] =	ssyncadd.s32 $0xFFFFF000  }
0x37: {  	[spmem:s2] =	stream.indirect.scatter.add.f32 [tilespmem:s19], [sflag:$0x2], $0x20, s17, s18, $0xb8;
	[tilespmem:$0x1BD20] =	vst v63  }
0x38: {  	s5 =	simm.s32 $0x280;
	s21 =	simm.s32 $0xF000  }
0x39: {  	[tilespmem:s21], [sflag:$0x1] =	stream.indirect.gather [spmem:s3], $0x20, s5, s18, $0xb8;
	[tilespmem:$0x1BD20] =	vst v63  }
0x3a: {  	_ =	swait.ge [sflag:s28], $0x1000  }
0x3b: {  	[sflag:s28] =	ssyncset.done $0x0  }
0x3c: {  	s23 =	simm.s32 $0x5080;
	[sflag:s28] =	ssyncadd.s32 $0xFFFFF000  }
0x3d: {  	[spmem:s2] =	stream.indirect.scatter.add.f32 [tilespmem:s20], [sflag:$0x2], $0x20, s23, s18, $0xb8;
	[tilespmem:$0x1BD20] =	vst v63  }
0x3e: {  	s25 =	simm.s32 $0x300;
	s26 =	simm.s32 $0x10000  }
0x3f: {  	[tilespmem:s26], [sflag:$0x1] =	stream.indirect.gather [spmem:s3], $0x20, s25, s18, $0xb8;
	[tilespmem:$0x1BD20] =	vst v63  }
0x40: {  	_ =	swait.ge [sflag:s28], $0x1000  }
0x41: {  	[sflag:s28] =	ssyncset.done $0x0  }
0x42: {  	s5 =	simm.s32 $0x5100;
	[sflag:s28] =	ssyncadd.s32 $0xFFFFF000  }
0x43: {  	[spmem:s2] =	stream.indirect.scatter.add.f32 [tilespmem:s22], [sflag:$0x2], $0x20, s5, s18, $0xb8;
	[tilespmem:$0x1BD20] =	vst v63  }
0x44: {  	s21 =	simm.s32 $0x380;
	s23 =	simm.s32 $0x11000  }
0x45: {  	[tilespmem:s23], [sflag:$0x1] =	stream.indirect.gather [spmem:s3], $0x20, s21, s18, $0xb8;
	[tilespmem:$0x1BD20] =	vst v63  }
0x46: {  	s31 =	simm.s32 $0x5200;
	_ =	swait.ge [sflag:s28], $0x1000  }
0x47: {  	p1 =	por $0x0, $0x0;
	s0 =	simm.s32 $0x20000;
	[sflag:s28] =	ssyncset.done $0x0  }
0x48: {  	s1 =	simm.s32 $0x400;
	s25 =	simm.s32 $0x5180;
	[sflag:s28] =	ssyncadd.s32 $0xFFFFF000  }
0x49: {  	[spmem:s2] =	stream.indirect.scatter.add.f32 [tilespmem:s24], [sflag:$0x2], $0x20, s25, s18, $0xb8;
	[tilespmem:$0x1BD20] =	vst v63  }
0x4a: {  	s21 =	sand.u32 @!p1 $0x1C000, s0;
	s23 =	simm.s32 $0x10000;
	_ =	swait.ge [sflag:s29], $0x1000  }
0x4b: {  	s21 =	sshrl.u32 @!p1 s21, $0x2;
	s26 =	sand.u32 $0x1C000, s23;
	[sflag:s29] =	ssyncset.done $0x0  }
0x4c: {  	s21 =	sadd.s32 @!p1 $0xA000, s21;
	s25 =	simm.s32 @!p1 $0x80;
	[sflag:s29] =	ssyncadd.s32 $0xFFFFF000  }
0x4d: {  	[tilespmem:s21], [sflag:$0x1] =	stream.indirect.gather @!p1 [spmem:s3], $0x20, s1, s25, $0xb8;
	[tilespmem:$0x1BD20] =	vst v63  }
0x4e: {  	s0 =	simm.s32 $0x5;
	s23 =	sshrl.u32 s26, $0x2;
	_ =	swait.ge [sflag:s28], $0x1000  }
0x4f: {  	s1 =	simm.s32 $0x480;
	s21 =	simm.s32 $0x24000;
	[sflag:s28] =	ssyncset.done $0x0  }
0x50: {  	s25 =	sadd.s32 $0xA000, s23;
	s23 =	simm.s32 $0x5280;
	[sflag:s28] =	ssyncadd.s32 $0xFFFFF000  }
.LBB2_2:
0x51: {  	[spmem:s2] =	stream.indirect.scatter.add.f32 [tilespmem:s25], [sflag:$0x2], $0x20, s31, s18, $0xb8;
	[tilespmem:$0x1BD20] =	vst v63  }
0x52: {  	s31 =	smov.u32 s23  }
0x53: {  	p2 =	sgt.u32 s0, $0x9B;
	s0 =	sadd.s32 $0x1, s0;
	_ =	swait.ge [sflag:s29], $0x1000  }
0x54: {  	s25 =	sand.u32 @!p2 $0x1C000, s21;
	p1 =	sne.s32 s0, $0xA0;
	[sflag:s29] =	ssyncset.done $0x0  }
0x55: {  	s26 =	sadd.s32 $0xFFFF0000, s21;
	s25 =	sshrl.u32 @!p2 s25, $0x2;
	[sflag:s29] =	ssyncadd.s32 $0xFFFFF000  }
.Ltmp0:
0x56: {  	s5 =	simm.s32 @!p2 $0x80;
	s25 =	sadd.s32 @!p2 $0xA000, s25;
	(pc) =	sbr.rel @p1 .LBB2_2-.Ltmp0, $4  }
0x57: {  	[tilespmem:s25], [sflag:$0x1] =	stream.indirect.gather @!p2 [spmem:s3], $0x20, s1, s5, $0xb8;
	[tilespmem:$0x1BD20] =	vst v63  }
0x58: {  	s5 =	sand.u32 $0x1C000, s26;
	s1 =	sadd.s32 $0x80, s1;
	_ =	swait.ge [sflag:s28], $0x1000  }
0x59: {  	s21 =	sadd.s32 $0x4000, s21;
	s5 =	sshrl.u32 s5, $0x2;
	[sflag:s28] =	ssyncset.done $0x0  }
0x5a: {  	s23 =	sadd.s32 $0x80, s23;
	s25 =	sadd.s32 $0xA000, s5;
	[sflag:s28] =	ssyncadd.s32 $0xFFFFF000  }
0x5b: {  	[spmem:s2] =	stream.indirect.scatter.add.f32 [tilespmem:s25], [sflag:$0x2], $0x20, s31, s18, $0xb8;
	[tilespmem:$0x1BD20] =	vst v63  }
0x5c: {  	_ =	swait.ge [sflag:s29], $0x1000  }
0x5d: {  	[sflag:s29] =	ssyncset.done $0x0  }
0x5e: {  	[sflag:s29] =	ssyncadd.s32 $0xFFFFF000  }
0x5f: {  	_ =	swait.ge [sflag:s29], $0x1000  }
0x60: {  	[sflag:s29] =	ssyncset.done $0x0  }
0x61: {  	[sflag:s29] =	ssyncadd.s32 $0xFFFFF000  }
0x62: {  	_ =	swait.ge [sflag:s29], $0x1000  }
0x63: {  	[sflag:s29] =	ssyncset.done $0x0  }
0x64: {  	[sflag:s29] =	ssyncadd.s32 $0xFFFFF000  }
0x65: {  	_ =	swait.ge [sflag:s29], $0x1000  }
0x66: {  	s30 =	sadd.s32 $0x1, s30;
	[sflag:s29] =	ssyncset.done $0x0  }
0x67: {  	p1 =	sne.s32 s30, s12;
	[sflag:s29] =	ssyncadd.s32 $0xFFFFF000  }
.Ltmp1:
0x68: {  	[bflag:$0x0] =	sbarrier.arrive $0xFFFF;
	(pc) =	sbr.rel @p1 .LBB2_1-.Ltmp1, $4  }
0x69: {  	[hbm:s11], [sflag:s6] =	dma.local [spmem:s13], $0x9E0  }
0x6a: {  	_ =	swait.ge [sflag:s14], $0x9E0  }
0x6b: {  	[sflag:s14] =	ssyncset.done $0x0  }
0x6c: {  	[sflag:s14] =	ssyncadd.s32 $0xFFFFF620  }
0x6d: {  	_ =	sfence.sel $0x180000  }
0x6e: {  	[bflag:$0x0] =	sbarrier.arrive $0xFFFF  }
0x6f: {  	_ =	strace $0x9000004A  }
0x70: {  	s0 =	stileid.u32;
	[bflag:$0x2] =	sbarrier.arrive $0xFFFF  }
0x71: {  	p0 =	sne.s32 s0, $0x0;
	s0 =	rddreg [dreg:$0x4]  }
0x72: {  	s0 =	sadd.s32 @!p0 $0x100000, s0  }
0x73: {  	[sflag:s0] =	ssyncadd.tile.s32 @!p0 $0x1;
	_ =	shalt  }
.Lfunc_end2:
_tile_overlayer_lowered:
.L_overlay_start_2:
0x74: {  	(tag) =	ssettag $0x2  }
0x75: {  	s0 =	rddreg [dreg:$0x0];
	s2 =	stileid.u32  }
0x76: {  	s1 =	rddreg [dreg:$0x1];
	p0 =	sne.s32 s2, $0x0  }
0x77: {  	s3 =	rddreg [dreg:$0x2];
	[bflag:$0x3] =	sbarrier.arrive $0xFFFF;
	s2 =	simm.s32 @!p0 $0x1C03  }
0x78: {  	[timem:s3], [sflag:s2] =	dma.local @!p0 [hbm:s0], s1  }
0x79: {  	s0 =	simm.s32 @!p0 $0x3  }
0x7a: {  	_ =	swait.ge @!p0 [sflag:s0], s1  }
0x7b: {  	s1 =	ssub.s32 @!p0 $0x0, s1;
	[sflag:s0] =	ssyncset.done @!p0 $0x0  }
0x7c: {  	[sflag:s0] =	ssyncadd.s32 @!p0 s1  }
0x7d: {  	[bflag:$0x3] =	sbarrier.arrive $0xFFFF  }
0x7e: {  	_ =	shalt  }

// kernel: kernel.7.cloned.1.call-start
scs
__scs_entry_jumppad:
0x0: {  	(pc) =	sbr.rel $0x88, $3  }
0x1: {  	(tag) =	ssettag $0x0;
	lr =	simm.s32 $0x1  }
0x2: {  	[smem:$0x3F9B] =	sst lr;
	_ =	strace $0xD0000000  }
0x3: {  	_ = 	snop  }
0x4: {  	_ = 	snop  }
0x5: {  	_ = 	snop  }
0x6: {  	_ = 	snop  }
0x7: {  	_ = 	snop  }
__scs_overlays_trampoline_lowered:
0x8: {  	[smem:$0x3FAA] =	sst s0  }
0x9: {  	[smem:$0x3FAB] =	sst s1  }
0xa: {  	[smem:$0x3FAC] =	sst s2  }
0xb: {  	[smem:$0x3FAD] =	sst s3  }
0xc: {  	[smem:$0x3FAE] =	sst s4  }
0xd: {  	[smem:$0x3FAF] =	sst s5  }
0xe: {  	[smem:$0x3FB0] =	sst s6  }
0xf: {  	[smem:$0x3FB1] =	sst s7  }
0x10: {  	[smem:$0x3FB2] =	sst s8  }
0x11: {  	[smem:$0x3FB3] =	sst s9;
	s0 =	simm.s32 @!p0 $0x0  }
0x12: {  	s1 =	sld [smem:$0x3F99];
	s0 =	simm.s32 @p0 $0x1  }
0x13: {  	[smem:$0x3FB4] =	sst s0;
	s0 =	simm.s32 @!p1 $0x0  }
0x14: {  	s2 =	sld [smem:$0x3F98];
	s0 =	simm.s32 @p1 $0x1  }
0x15: {  	[smem:$0x3FB5] =	sst s0;
	s0 =	simm.s32 @!p2 $0x0  }
0x16: {  	s3 =	sld [smem:$0x3FDB];
	s0 =	simm.s32 @p2 $0x1  }
0x17: {  	s4 =	simm.s32 $0x1BF5;
	[smem:$0x3FB7] =	sst s0  }
0x18: {  	s0 =	sld [smem:$0x3F9A];
	_ =	swait.ge [sflag:s4], $0x0  }
0x19: {  	s7 =	sld [smem:$0x3F9B]  }
0x1a: {  	s8 =	sadd.s32 $0xFFFFE003, lr  }
0x1b: {  	s9 =	sadd.s32 $0xFFFFFEF7, lr;
	s5 =	simm.s32 $0xFFFFFFFF;
	p2 =	slt.u32 s8, $0xFFFFF086  }
0x1c: {  	p1 =	slt.u32 s9, $0xF7A;
	s5 =	simm.s32 @!p2 $0x0  }
0x1d: {  	s5 =	simm.s32 @p1 $0x1;
	p0 =	seq.s32 s7, s2  }
0x1e: {  	s7 =	smul.u32 @!p0 $0xF7A, s2;
	p2 =	seq.s32 @!p0 s5, $0x0  }
0x1f: {  	s9 =	smul.u32 $0xF7A, s1;
	s8 =	simm.s32 @!p0 $0x1BF5;
	p2 =	por !p2, p0  }
0x20: {  	[sflag:s8] =	ssyncset.s32 @!p0 $0xFFFFF086;
	s6 =	sadd.s32 @!p0 s3, s7;
	s7 =	simm.s32 @!p0 $0x108  }
0x21: {  	s3 =	sadd.s32 s3, s9;
	s6 =	sadd.s32 @!p0 $0x88, s6;
	s7 =	simm.s32 @p2 $0x1082  }
0x22: {  	[simem:s7], [sflag:s8] =	dma.local @!p0 [hbm:s6], $0xF7A  }
0x23: {  	s9 =	sor.u32 $0xD0000000, s2;
	s6 =	simm.s32 $0x108;
	_ =	swait.ge @!p0 [sflag:s8], $0x0  }
0x24: {  	s3 =	sadd.s32 $0x88, s3;
	s6 =	simm.s32 @!p1 $0x1082;
	[sflag:s4] =	ssyncset.s32 $0xFFFFF086  }
0x25: {  	[simem:s6], [sflag:s4] =	dma.local [hbm:s3], $0xF7A  }
0x26: {  	[smem:$0x3F9B] =	sst s1;
	(tag) =	ssettag s2;
	_ =	strace s9  }
0x27: {  	s1 =	sld [smem:$0x3FAB]  }
0x28: {  	s2 =	sld [smem:$0x3FAC]  }
0x29: {  	s4 =	sld [smem:$0x3FAE]  }
0x2a: {  	p0 =	seq.s32 s5, $0x0;
	s5 =	sld [smem:$0x3FAF]  }
0x2b: {  	s6 =	sld [smem:$0x3FB0]  }
0x2c: {  	s7 =	sld [smem:$0x3FB1]  }
0x2d: {  	s3 =	simm.s32 $0x108;
	s8 =	sld [smem:$0x3FB2]  }
0x2e: {  	s3 =	simm.s32 @!p0 $0x1082;
	s9 =	sld [smem:$0x3FB3]  }
0x2f: {  	lr =	sadd.s32 s0, s3;
	s0 =	sld [smem:$0x3FAA]  }
0x30: {  	s3 =	sld [smem:$0x3FAD]  }
0x31: {  	[smem:$0x3FB6] =	sst s10  }
0x32: {  	s10 =	sld [smem:$0x3FB4];
	_ =	sdelay $0x3  }
0x33: {  	p0 =	seq.s32 s10, $0x1;
	s10 =	sld [smem:$0x3FB6];
	_ =	sdelay $0x3  }
0x34: {  	[smem:$0x3FB6] =	sst s10  }
0x35: {  	s10 =	sld [smem:$0x3FB5];
	_ =	sdelay $0x3  }
0x36: {  	p1 =	seq.s32 s10, $0x1;
	s10 =	sld [smem:$0x3FB6];
	_ =	sdelay $0x3  }
0x37: {  	[smem:$0x3FB6] =	sst s10  }
0x38: {  	s10 =	sld [smem:$0x3FB7]  }
0x39: {  	_ = 	snop;
	(pc) =	sbr.ind lr, $3  }
0x3a: {  	_ = 	snop  }
0x3b: {  	_ = 	snop  }
0x3c: {  	p2 =	seq.s32 s10, $0x1;
	s10 =	sld [smem:$0x3FB6]  }
0x3d: {  	_ =	shalt  }
0x3e: {  	_ =	shalt  }
0x3f: {  	_ =	shalt  }
0x40: {  	_ =	shalt  }
0x41: {  	_ =	shalt  }
0x42: {  	_ =	shalt  }
0x43: {  	_ =	shalt  }
0x44: {  	_ =	shalt  }
0x45: {  	_ =	shalt  }
0x46: {  	_ =	shalt  }
0x47: {  	_ =	shalt  }
0x48: {  	_ =	shalt  }
0x49: {  	_ =	shalt  }
0x4a: {  	_ =	shalt  }
0x4b: {  	_ =	shalt  }
0x4c: {  	_ =	shalt  }
0x4d: {  	_ =	shalt  }
0x4e: {  	_ =	shalt  }
0x4f: {  	_ =	shalt  }
0x50: {  	_ =	shalt  }
0x51: {  	_ =	shalt  }
0x52: {  	_ =	shalt  }
0x53: {  	_ =	shalt  }
0x54: {  	_ =	shalt  }
0x55: {  	_ =	shalt  }
0x56: {  	_ =	shalt  }
0x57: {  	_ =	shalt  }
0x58: {  	_ =	shalt  }
0x59: {  	_ =	shalt  }
0x5a: {  	_ =	shalt  }
0x5b: {  	_ =	shalt  }
0x5c: {  	_ =	shalt  }
0x5d: {  	_ =	shalt  }
0x5e: {  	_ =	shalt  }
0x5f: {  	_ =	shalt  }
0x60: {  	_ =	shalt  }
0x61: {  	_ =	shalt  }
0x62: {  	_ =	shalt  }
0x63: {  	_ =	shalt  }
0x64: {  	_ =	shalt  }
0x65: {  	_ =	shalt  }
0x66: {  	_ =	shalt  }
0x67: {  	_ =	shalt  }
0x68: {  	_ =	shalt  }
0x69: {  	_ =	shalt  }
0x6a: {  	_ =	shalt  }
0x6b: {  	_ =	shalt  }
0x6c: {  	_ =	shalt  }
0x6d: {  	_ =	shalt  }
0x6e: {  	_ =	shalt  }
0x6f: {  	_ =	shalt  }
0x70: {  	_ =	shalt  }
0x71: {  	_ =	shalt  }
0x72: {  	_ =	shalt  }
0x73: {  	_ =	shalt  }
0x74: {  	_ =	shalt  }
0x75: {  	_ =	shalt  }
0x76: {  	_ =	shalt  }
0x77: {  	_ =	shalt  }
0x78: {  	_ =	shalt  }
0x79: {  	_ =	shalt  }
0x7a: {  	_ =	shalt  }
0x7b: {  	_ =	shalt  }
0x7c: {  	_ =	shalt  }
0x7d: {  	_ =	shalt  }
0x7e: {  	_ =	shalt  }
0x7f: {  	_ =	shalt  }
0x80: {  	_ =	shalt  }
0x81: {  	_ =	shalt  }
0x82: {  	_ =	shalt  }
0x83: {  	_ =	shalt  }
0x84: {  	_ =	shalt  }
0x85: {  	_ =	shalt  }
0x86: {  	_ =	shalt  }
0x87: {  	_ =	shalt  }
.Lfunc_end0:
.L_simem_size_0:
called_computation_lowered:
.L_overlay_start_0:
0x88: {  	s2 =	sld [smem:$0x3FD9]  }
0x89: {  	s3 =	sld [smem:$0x3FFE];
	_ =	sdelay $0x1  }
0x8a: {  	s1 =	srdreg.scid  }
0x8b: {  	s0 =	sand.u32 $0x1, s1  }
0x8c: {  	s14 =	sshll.u32 s0, $0xA;
	s2 =	sadd.s32 s3, s2  }
0x8d: {  	s2 =	sadd.s32 s2, s14  }
0x8e: {  	[smem:$0x3FC2] =	sst s2  }
0x8f: {  	_ = 	snop  }
0x90: {  	s2 =	sld [smem:$0x3FD0];
	_ =	sdelay $0x2  }
0x91: {  	s15 =	simm.s32 $0xA;
	s4 =	simm.s32 $0x10  }
0x92: {  	[smem:s4], [sflag:s15] =	dma.local [hbm:s2], $0x1  }
0x93: {  	_ =	swait.eq [sflag:s15], $0x1  }
0x94: {  	[sflag:s15] =	ssyncset.done $0x0  }
0x95: {  	[sflag:s15] =	ssyncadd.s32 $0xFFFFFFFF  }
0x96: {  	s16 =	sld [smem:$0x12];
	(tm) =	ssettm $0x1  }
0x97: {  	s17 =	sld [smem:$0x3FFB];
	_ =	sdelay $0x3  }
0x98: {  	_ =	strace s17  }
0x99: {  	s3 =	sld [smem:$0x3FFC];
	_ =	sdelay $0x3  }
0x9a: {  	_ =	strace s3  }
0x9b: {  	s3 =	sld [smem:$0x3FFD];
	_ =	sdelay $0x3  }
0x9c: {  	_ =	strace s3  }
0x9d: {  	_ =	strace $0x8FFFFFFF  }
0x9e: {  	s18 =	sld [smem:$0x3FDB];
	_ =	sdelay $0x1  }
0x9f: {  	s19 =	simm.s32 $_scs_section_size  }
0xa0: {  	s5 =	simm.s32 $_size__tile_overlayer_lowered;
	s6 =	simm.s32 $_tile_overlayer_lowered  }
0xa1: {  	s22 =	simm.s32 $0x1BFF;
	s21 =	sshll.u32 s6, $0x1;
	s3 =	sadd.s32 s19, s18  }
0xa2: {  	s7 =	simm.s32 $0x0;
	s20 =	sshll.u32 s5, $0x1;
	s5 =	sadd.s32 s21, s3  }
0xa3: {  	[timem:s7], [sflag:s22] =	dma.local [hbm:s5], s20  }
0xa4: {  	_ =	swait.ge [sflag:s22], s20  }
0xa5: {  	s4 =	ssub.s32 $0x0, s20;
	[sflag:s22] =	ssyncset.done $0x0  }
0xa6: {  	[sflag:s22] =	ssyncadd.s32 s4;
	_ =	sdelay $0x1  }
0xa7: {  	s23 =	simm.s32 $0x1B8B  }
0xa8: {  	_ =	swait.ge [sflag:s23], $0x1  }
0xa9: {  	[sflag:s23] =	ssyncset.done $0x0  }
0xaa: {  	s25 =	simm.s32 $0x1B8E;
	s24 =	sld [smem:$0x3FFE];
	[sflag:s23] =	ssyncadd.s32 $0xFFFFFFFF  }
0xab: {  	s26 =	simm.s32 $execute0_lowered;
	[smem:$0x3FD2] =	sst s25  }
0xac: {  	s5 =	sshll.u32 s26, $0x1;
	_ =	strace $0x80000046;
	[dreg:$0x1] =	wrdreg $0xFFFFFFFF  }
0xad: {  	s28 =	simm.s32 $_size_execute0_lowered;
	s3 =	sadd.s32 s3, s5;
	[dreg:$0x0] =	wrdreg $0x0  }
0xae: {  	s5 =	sshll.u32 s28, $0x1;
	[dreg:$0x2] =	wrdreg s3  }
0xaf: {  	[dreg:$0x3] =	wrdreg s5  }
0xb0: {  	[dreg:$0x4] =	wrdreg $0xC0  }
0xb1: {  	_ =	task [dreg:s7], $0x5FFFF  }
0xb2: {  	[dreg:$0x1] =	wrdreg $0xFFFFFFFF  }
0xb3: {  	[dreg:$0x0] =	wrdreg $0x60  }
0xb4: {  	[dreg:$0x2] =	wrdreg s24  }
0xb5: {  	[dreg:$0x3] =	wrdreg s16  }
0xb6: {  	[dreg:$0x4] =	wrdreg $0x120000  }
0xb7: {  	[dreg:$0x5] =	wrdreg $0x16F000  }
0xb8: {  	[dreg:$0x6] =	wrdreg $0x9  }
0xb9: {  	_ =	task.clear_ibuf [dreg:s7], $0x7FFFF;
	_ =	strace $0x90000046  }
0xba: {  	s29 =	simm.s32 $0x9;
	_ =	strace $0x80000048  }
0xbb: {  	_ =	swait.ge [sflag:s29], $0x1  }
0xbc: {  	[sflag:s29] =	ssyncadd.s32 $0xFFFFFFFF  }
0xbd: {  	_ =	strace $0x90000048  }
0xbe: {  	_ =	sfence  }
0xbf: {  	s30 =	sld [smem:$0x0];
	_ =	sdelay $0x2  }
0xc0: {  	s31 =	sshll.u32 s1, $0xD;
	s1 =	sshrl.u32 s1, $0x2  }
0xc1: {  	s3 =	sand.u32 $0x4000, s31;
	s1 =	sadd.s32 s1, s30  }
0xc2: {  	s0 =	sor.u32 s3, s0;
	s1 =	sshll.u32 s1, $0x11  }
0xc3: {  	s0 =	sor.u32 s1, s0  }
0xc4: {  	s0 =	sadd.s32 $0x8F2B, s0  }
0xc5: {  	[sflag:s0] =	ssyncadd.remote.s32 $0x1  }
0xc6: {  	_ =	sfence.sel $0xFFFF  }
0xc7: {  	[dreg:$0x0] =	wrdreg $0xFFFFFFFF;
	(pc) =	sbr.abs _section_cstart, $3  }
0xc8: {  	[dreg:$0x1] =	wrdreg $0xFFFFFFFF  }
0xc9: {  	_ =	task.clear_ibuf [dreg:s7], $0x2FFFF;
	_ =	strace $0x9FFFFFFF  }
0xca: {  	(tm) =	ssettm $0x7FFFFFFF  }
0xcb: {  	_ =	shalt  }
tec
execute0_lowered:
.L_overlay_start_1:
0x0: {  	(tag) =	ssettag $0x1  }
0x1: {  	s0 =	rddreg [dreg:$0x0]  }
0x2: {  	s1 =	rddreg [dreg:$0x1]  }
0x3: {  	s2 =	rddreg [dreg:$0x2]  }
0x4: {  	s3 =	rddreg [dreg:$0x3]  }
0x5: {  	s17 =	stileid.u32;
	s5 =	srdreg.scid  }
0x6: {  	s4 =	simm.s32 $0x0;
	s18 =	simm.s32 $0x80;
	s19 =	simm.s32 $0xA000  }
0x7: {  	s20 =	simm.s32 $0xB000;
	s22 =	simm.s32 $0xC000;
	s24 =	simm.s32 $0xD000  }
0x8: {  	s28 =	simm.s32 $0x1;
	s29 =	simm.s32 $0x2;
	s30 =	simm.s32 $0x0  }
0x9: {  	s5 =	sand.u32 $0x1, s5;
	s7 =	smul.u32 $0x4F00, s17;
	[smem:$0x7FF] =	sst s4  }
0xa: {  	s6 =	smul.u32 $0xA00, s17;
	s10 =	sadd.s32 $0xA00, s0;
	s26 =	sshll.u32 s17, $0x6  }
0xb: {  	s15 =	sadd.s32 $0x4A100, s3;
	p0 =	seq.s32 s17, $0xF;
	s17 =	simm.s32 $0x5000  }
0xc: {  	s8 =	smul.u32 $0x4F000, s5;
	_ =	strace $0x80000047;
	s5 =	ssub.s32 $0x2, s5  }
0xd: {  	s15 =	sshrl.u32 @p0 s15, $0x3;
	s11 =	sshrl.u32 s5, $0x1;
	s12 =	sadd.s32 s6, s0  }
0xe: {  	s14 =	sadd.s32 s7, s2;
	s25 =	sshrl.u32 s7, $0x3;
	s6 =	sor.u32 $0x1C03, s26  }
0xf: {  	s16 =	sadd.s32 s7, s3;
	s9 =	sadd.s32 s7, s8;
	s13 =	ssub.s32 s5, s11  }
0x10: {  	s1 =	sadd.s32 s1, s25;
	s31 =	sshrl.u32 s8, $0x3;
	s16 =	sshrl.u32 @!p0 s16, $0x3  }
0x11: {  	s9 =	sshrl.u32 s9, $0x3;
	[dreg:$0x5] =	wrdreg s1;
	s1 =	sadd.s32 s10, s31  }
0x12: {  	s0 =	sadd.s32 s9, s0;
	s7 =	sadd.s32 s10, s9;
	s8 =	sadd.s32 $0x9420, s1  }
0x13: {  	s9 =	sadd.s32 $0x1E600, s12;
	s10 =	sadd.s32 $0x14600, s12;
	s12 =	smax.u32 s13, $0x1  }
0x14: {  	s13 =	sshrl.u32 s14, $0x3;
	s14 =	simm.s32 $0x3;
	s11 =	sadd.s32 $0x28600, s0  }
.LBB2_1:
0x15: {  	s0 =	rddreg [dreg:$0x5]  }
0x16: {  	[spmem:s13], [sflag:s6] =	dma.local [hbm:s0], $0x9E0  }
0x17: {  	_ =	swait.ge [sflag:s14], $0x9E0  }
0x18: {  	[sflag:s14] =	ssyncset.done $0x0  }
0x19: {  	s0 =	simm.s32 @p0 $0x3;
	[sflag:s14] =	ssyncadd.s32 $0xFFFFF620  }
0x1a: {  	[spmem:s15], [sflag:s6] =	dma.local @p0 [hbm:s8], $0x820  }
0x1b: {  	_ =	swait.ge @p0 [sflag:s0], $0x820  }
0x1c: {  	[sflag:s0] =	ssyncset.done @p0 $0x0  }
0x1d: {  	[sflag:s0] =	ssyncadd.s32 @p0 $0xFFFFF7E0;
	s0 =	simm.s32 @!p0 $0x3  }
0x1e: {  	[spmem:s16], [sflag:s6] =	dma.local @!p0 [hbm:s7], $0x9E0  }
0x1f: {  	_ =	swait.ge @!p0 [sflag:s0], $0x9E0  }
0x20: {  	[sflag:s0] =	ssyncset.done @!p0 $0x0  }
0x21: {  	[sflag:s0] =	ssyncadd.s32 @!p0 $0xFFFFF620  }
0x22: {  	[tilespmem:s4], [sflag:$0x3] =	stream.linear.gather [hbm4b:s9+s4], $0x5000, $0x38;
	[tilespmem:$0x1BD20] =	vst v63  }
0x23: {  	_ =	swait.ge [sflag:s14], $0x5000  }
0x24: {  	[sflag:s14] =	ssyncset.done $0x0  }
0x25: {  	[sflag:s14] =	ssyncadd.s32 $0xFFFFB000  }
0x26: {  	[tilespmem:s17], [sflag:$0x3] =	stream.linear.gather [hbm4b:s10+s4], $0x5000, $0x38;
	[tilespmem:$0x1BD20] =	vst v63  }
0x27: {  	_ =	swait.ge [sflag:s14], $0x5000  }
0x28: {  	[sflag:s14] =	ssyncset.done $0x0  }
0x29: {  	[sflag:s14] =	ssyncadd.s32 $0xFFFFB000  }
0x2a: {  	[bflag:$0x0] =	sbarrier.arrive $0xFFFF  }
0x2b: {  	[tilespmem:s19], [sflag:$0x1] =	stream.indirect.gather [spmem:s3], $0x20, s4, s18, $0xb8;
	[tilespmem:$0x1BD20] =	vst v63  }
0x2c: {  	_ = 	snop  }
0x2d: {  	[tilespmem:s20], [sflag:$0x1] =	stream.indirect.gather [spmem:s3], $0x20, s18, s18, $0xb8;
	[tilespmem:$0x1BD20] =	vst v63  }
0x2e: {  	s23 =	simm.s32 $0x100  }
0x2f: {  	[tilespmem:s22], [sflag:$0x1] =	stream.indirect.gather [spmem:s3], $0x20, s23, s18, $0xb8;
	[tilespmem:$0x1BD20] =	vst v63  }
0x30: {  	s25 =	simm.s32 $0x180  }
0x31: {  	[tilespmem:s24], [sflag:$0x1] =	stream.indirect.gather [spmem:s3], $0x20, s25, s18, $0xb8;
	[tilespmem:$0x1BD20] =	vst v63  }
0x32: {  	s26 =	simm.s32 $0x200;
	s1 =	simm.s32 $0xE000  }
0x33: {  	[tilespmem:s1], [sflag:$0x1] =	stream.indirect.gather [spmem:s3], $0x20, s26, s18, $0xb8;
	[tilespmem:$0x1BD20] =	vst v63  }
0x34: {  	_ =	swait.ge [sflag:s28], $0x1000  }
0x35: {  	[sflag:s28] =	ssyncset.done $0x0  }
0x36: {  	[sflag:s28] =	ssyncadd.s32 $0xFFFFF000  }
0x37: {  	[spmem:s2] =	stream.indirect.scatter.add.f32 [tilespmem:s19], [sflag:$0x2], $0x20, s17, s18, $0xb8;
	[tilespmem:$0x1BD20] =	vst v63  }
0x38: {  	s5 =	simm.s32 $0x280;
	s21 =	simm.s32 $0xF000  }
0x39: {  	[tilespmem:s21], [sflag:$0x1] =	stream.indirect.gather [spmem:s3], $0x20, s5, s18, $0xb8;
	[tilespmem:$0x1BD20] =	vst v63  }
0x3a: {  	_ =	swait.ge [sflag:s28], $0x1000  }
0x3b: {  	[sflag:s28] =	ssyncset.done $0x0  }
0x3c: {  	s23 =	simm.s32 $0x5080;
	[sflag:s28] =	ssyncadd.s32 $0xFFFFF000  }
0x3d: {  	[spmem:s2] =	stream.indirect.scatter.add.f32 [tilespmem:s20], [sflag:$0x2], $0x20, s23, s18, $0xb8;
	[tilespmem:$0x1BD20] =	vst v63  }
0x3e: {  	s25 =	simm.s32 $0x300;
	s26 =	simm.s32 $0x10000  }
0x3f: {  	[tilespmem:s26], [sflag:$0x1] =	stream.indirect.gather [spmem:s3], $0x20, s25, s18, $0xb8;
	[tilespmem:$0x1BD20] =	vst v63  }
0x40: {  	_ =	swait.ge [sflag:s28], $0x1000  }
0x41: {  	[sflag:s28] =	ssyncset.done $0x0  }
0x42: {  	s5 =	simm.s32 $0x5100;
	[sflag:s28] =	ssyncadd.s32 $0xFFFFF000  }
0x43: {  	[spmem:s2] =	stream.indirect.scatter.add.f32 [tilespmem:s22], [sflag:$0x2], $0x20, s5, s18, $0xb8;
	[tilespmem:$0x1BD20] =	vst v63  }
0x44: {  	s21 =	simm.s32 $0x380;
	s23 =	simm.s32 $0x11000  }
0x45: {  	[tilespmem:s23], [sflag:$0x1] =	stream.indirect.gather [spmem:s3], $0x20, s21, s18, $0xb8;
	[tilespmem:$0x1BD20] =	vst v63  }
0x46: {  	s31 =	simm.s32 $0x5200;
	_ =	swait.ge [sflag:s28], $0x1000  }
0x47: {  	p1 =	por $0x0, $0x0;
	s0 =	simm.s32 $0x20000;
	[sflag:s28] =	ssyncset.done $0x0  }
0x48: {  	s1 =	simm.s32 $0x400;
	s25 =	simm.s32 $0x5180;
	[sflag:s28] =	ssyncadd.s32 $0xFFFFF000  }
0x49: {  	[spmem:s2] =	stream.indirect.scatter.add.f32 [tilespmem:s24], [sflag:$0x2], $0x20, s25, s18, $0xb8;
	[tilespmem:$0x1BD20] =	vst v63  }
0x4a: {  	s21 =	sand.u32 @!p1 $0x1C000, s0;
	s23 =	simm.s32 $0x10000;
	_ =	swait.ge [sflag:s29], $0x1000  }
0x4b: {  	s21 =	sshrl.u32 @!p1 s21, $0x2;
	s26 =	sand.u32 $0x1C000, s23;
	[sflag:s29] =	ssyncset.done $0x0  }
0x4c: {  	s21 =	sadd.s32 @!p1 $0xA000, s21;
	s25 =	simm.s32 @!p1 $0x80;
	[sflag:s29] =	ssyncadd.s32 $0xFFFFF000  }
0x4d: {  	[tilespmem:s21], [sflag:$0x1] =	stream.indirect.gather @!p1 [spmem:s3], $0x20, s1, s25, $0xb8;
	[tilespmem:$0x1BD20] =	vst v63  }
0x4e: {  	s0 =	simm.s32 $0x5;
	s23 =	sshrl.u32 s26, $0x2;
	_ =	swait.ge [sflag:s28], $0x1000  }
0x4f: {  	s1 =	simm.s32 $0x480;
	s21 =	simm.s32 $0x24000;
	[sflag:s28] =	ssyncset.done $0x0  }
0x50: {  	s25 =	sadd.s32 $0xA000, s23;
	s23 =	simm.s32 $0x5280;
	[sflag:s28] =	ssyncadd.s32 $0xFFFFF000  }
.LBB2_2:
0x51: {  	[spmem:s2] =	stream.indirect.scatter.add.f32 [tilespmem:s25], [sflag:$0x2], $0x20, s31, s18, $0xb8;
	[tilespmem:$0x1BD20] =	vst v63  }
0x52: {  	s31 =	smov.u32 s23  }
0x53: {  	p2 =	sgt.u32 s0, $0x9B;
	s0 =	sadd.s32 $0x1, s0;
	_ =	swait.ge [sflag:s29], $0x1000  }
0x54: {  	s25 =	sand.u32 @!p2 $0x1C000, s21;
	p1 =	sne.s32 s0, $0xA0;
	[sflag:s29] =	ssyncset.done $0x0  }
0x55: {  	s26 =	sadd.s32 $0xFFFF0000, s21;
	s25 =	sshrl.u32 @!p2 s25, $0x2;
	[sflag:s29] =	ssyncadd.s32 $0xFFFFF000  }
.Ltmp0:
0x56: {  	s5 =	simm.s32 @!p2 $0x80;
	s25 =	sadd.s32 @!p2 $0xA000, s25;
	(pc) =	sbr.rel @p1 .LBB2_2-.Ltmp0, $4  }
0x57: {  	[tilespmem:s25], [sflag:$0x1] =	stream.indirect.gather @!p2 [spmem:s3], $0x20, s1, s5, $0xb8;
	[tilespmem:$0x1BD20] =	vst v63  }
0x58: {  	s5 =	sand.u32 $0x1C000, s26;
	s1 =	sadd.s32 $0x80, s1;
	_ =	swait.ge [sflag:s28], $0x1000  }
0x59: {  	s21 =	sadd.s32 $0x4000, s21;
	s5 =	sshrl.u32 s5, $0x2;
	[sflag:s28] =	ssyncset.done $0x0  }
0x5a: {  	s23 =	sadd.s32 $0x80, s23;
	s25 =	sadd.s32 $0xA000, s5;
	[sflag:s28] =	ssyncadd.s32 $0xFFFFF000  }
0x5b: {  	[spmem:s2] =	stream.indirect.scatter.add.f32 [tilespmem:s25], [sflag:$0x2], $0x20, s31, s18, $0xb8;
	[tilespmem:$0x1BD20] =	vst v63  }
0x5c: {  	_ =	swait.ge [sflag:s29], $0x1000  }
0x5d: {  	[sflag:s29] =	ssyncset.done $0x0  }
0x5e: {  	[sflag:s29] =	ssyncadd.s32 $0xFFFFF000  }
0x5f: {  	_ =	swait.ge [sflag:s29], $0x1000  }
0x60: {  	[sflag:s29] =	ssyncset.done $0x0  }
0x61: {  	[sflag:s29] =	ssyncadd.s32 $0xFFFFF000  }
0x62: {  	_ =	swait.ge [sflag:s29], $0x1000  }
0x63: {  	[sflag:s29] =	ssyncset.done $0x0  }
0x64: {  	[sflag:s29] =	ssyncadd.s32 $0xFFFFF000  }
0x65: {  	_ =	swait.ge [sflag:s29], $0x1000  }
0x66: {  	s30 =	sadd.s32 $0x1, s30;
	[sflag:s29] =	ssyncset.done $0x0  }
0x67: {  	p1 =	sne.s32 s30, s12;
	[sflag:s29] =	ssyncadd.s32 $0xFFFFF000  }
.Ltmp1:
0x68: {  	[bflag:$0x0] =	sbarrier.arrive $0xFFFF;
	(pc) =	sbr.rel @p1 .LBB2_1-.Ltmp1, $4  }
0x69: {  	[hbm:s11], [sflag:s6] =	dma.local [spmem:s13], $0x9E0  }
0x6a: {  	_ =	swait.ge [sflag:s14], $0x9E0  }
0x6b: {  	[sflag:s14] =	ssyncset.done $0x0  }
0x6c: {  	[sflag:s14] =	ssyncadd.s32 $0xFFFFF620  }
0x6d: {  	_ =	sfence.sel $0x180000  }
0x6e: {  	[bflag:$0x0] =	sbarrier.arrive $0xFFFF  }
0x6f: {  	_ =	strace $0x90000047  }
0x70: {  	s0 =	stileid.u32;
	[bflag:$0x2] =	sbarrier.arrive $0xFFFF  }
0x71: {  	p0 =	sne.s32 s0, $0x0;
	s0 =	rddreg [dreg:$0x4]  }
0x72: {  	s0 =	sadd.s32 @!p0 $0x100000, s0  }
0x73: {  	[sflag:s0] =	ssyncadd.tile.s32 @!p0 $0x1;
	_ =	shalt  }
.Lfunc_end2:
_tile_overlayer_lowered:
.L_overlay_start_2:
0x74: {  	(tag) =	ssettag $0x2  }
0x75: {  	s0 =	rddreg [dreg:$0x0];
	s2 =	stileid.u32  }
0x76: {  	s1 =	rddreg [dreg:$0x1];
	p0 =	sne.s32 s2, $0x0  }
0x77: {  	s3 =	rddreg [dreg:$0x2];
	[bflag:$0x3] =	sbarrier.arrive $0xFFFF;
	s2 =	simm.s32 @!p0 $0x1C03  }
0x78: {  	[timem:s3], [sflag:s2] =	dma.local @!p0 [hbm:s0], s1  }
0x79: {  	s0 =	simm.s32 @!p0 $0x3  }
0x7a: {  	_ =	swait.ge @!p0 [sflag:s0], s1  }
0x7b: {  	s1 =	ssub.s32 @!p0 $0x0, s1;
	[sflag:s0] =	ssyncset.done @!p0 $0x0  }
0x7c: {  	[sflag:s0] =	ssyncadd.s32 @!p0 s1  }
0x7d: {  	[bflag:$0x3] =	sbarrier.arrive $0xFFFF  }
0x7e: {  	_ =	shalt  }

</sc_bundles>
